<compile_context>
chip_gen: v7x
topology: tpu7x:2x2x1
jax: 0.10.2.dev20260603
libtpu: 0.0.44.dev20260713+nightly
codegen_flags: <defaults>
</compile_context>

<pallas_src>
import functools

import jax
import jax.numpy as jnp
from jax import lax
from jax.experimental import pallas as pl
from jax.experimental.pallas import tpu as pltpu
from jax.experimental.pallas import tpu_sc as plsc

NC = 2
NS = 16
NW = NC * NS
K = 128
RB = 1000


def _sc_deg(dst_pad, npad, chunks):
  stripe = npad // NS
  zrows = 8
  mesh = plsc.VectorSubcoreMesh(core_axis_name="c", subcore_axis_name="s", num_cores=NC, num_subcores=NS)

  @functools.partial(
      pl.kernel,
      out_type=jax.ShapeDtypeStruct((NC, npad, 128), jnp.float32),
      mesh=mesh,
      scratch_types=[
          pltpu.VMEM((chunks, K), jnp.int32),
          pltpu.VMEM((K, 128), jnp.float32),
          pltpu.VMEM((zrows, 128), jnp.float32),
          pltpu.VMEM_SHARED((npad, 128), jnp.float32),
      ],
  )
  def deg_kernel(dst_hbm, out_hbm, dst_all, ones_v, zero_v, acc_sh):
    c = lax.axis_index("c")
    s = lax.axis_index("s")
    w = c * NS + s
    pltpu.sync_copy(dst_hbm.at[w], dst_all)

    @pl.loop(0, zrows)
    def _(r):
      @pl.loop(0, 8)
      def _(l):
        zero_v[r, pl.ds(l * 16, 16)] = jnp.zeros((16,), jnp.float32)

    @pl.loop(0, K)
    def _(r):
      @pl.loop(0, 8)
      def _(l):
        ones_v[r, pl.ds(l * 16, 16)] = jnp.ones((16,), jnp.float32)

    @pl.loop(0, stripe // zrows)
    def _(t):
      pltpu.sync_copy(zero_v, acc_sh.at[pl.ds(s * stripe + t * zrows, zrows)])

    plsc.subcore_barrier()

    @pl.loop(0, chunks)
    def _(t):
      pltpu.sync_copy(ones_v, acc_sh.at[dst_all.at[t]], add=True)

    plsc.subcore_barrier()
    pltpu.sync_copy(acc_sh.at[pl.ds(s * stripe, stripe)],
                    out_hbm.at[c, pl.ds(s * stripe, stripe)])

  return deg_kernel(dst_pad)


def _sc_agg(p_dup, src_pad, dst_pad, npad, chunks0, chunks1):
  h = p_dup.shape[2]
  stripe = npad // NS
  zrows = 8
  mesh = plsc.VectorSubcoreMesh(core_axis_name="c", subcore_axis_name="s", num_cores=NC, num_subcores=NS)

  @functools.partial(
      pl.kernel,
      out_type=jax.ShapeDtypeStruct((NC, npad, h), jnp.float32),
      mesh=mesh,
      scratch_types=[
          pltpu.VMEM((chunks0, K), jnp.int32),
          pltpu.VMEM((chunks0, K), jnp.int32),
          pltpu.VMEM((K, h), jnp.float32),
          pltpu.VMEM((zrows, h), jnp.float32),
          pltpu.VMEM_SHARED((npad, h), jnp.float32),
          pltpu.SemaphoreType.DMA,
      ],
  )
  def agg_kernel(p_hbm, src_hbm, dst_hbm, out_hbm,
                 src_all, dst_all, rows_v, zero_v, acc_sh, sem):
    c = lax.axis_index("c")
    s = lax.axis_index("s")
    w = c * NS + s

    pltpu.sync_copy(src_hbm.at[w], src_all)
    pltpu.sync_copy(dst_hbm.at[w], dst_all)

    @pl.loop(0, zrows)
    def _(r):
      @pl.loop(0, h // 16)
      def _(l):
        zero_v[r, pl.ds(l * 16, 16)] = jnp.zeros((16,), jnp.float32)

    @pl.loop(0, stripe // zrows)
    def _(t):
      pltpu.sync_copy(zero_v, acc_sh.at[pl.ds(s * stripe + t * zrows, zrows)])

    plsc.subcore_barrier()
    trip = jnp.where(c == 0, chunks0, chunks1)

    @pl.loop(0, trip)
    def _(t):
      pltpu.async_copy(p_hbm.at[c].at[src_all.at[t]], rows_v, sem).wait()
      pltpu.sync_copy(rows_v, acc_sh.at[dst_all.at[t]], add=True)

    plsc.subcore_barrier()
    pltpu.sync_copy(acc_sh.at[pl.ds(s * stripe, stripe)],
                    out_hbm.at[c, pl.ds(s * stripe, stripe)])

  return agg_kernel(p_dup, src_pad, dst_pad)


def _tc_p1(x, W1, dega, degb):
  n, d = x.shape
  h = W1.shape[1]
  grid = n // RB

  def body(x_ref, w_ref, da_ref, db_ref, p_ref, dinv_ref):
    deg = da_ref[:, :1] + db_ref[:, :1] + 1.0
    dinv = lax.rsqrt(deg)
    hm = jnp.dot(x_ref[...], w_ref[...], preferred_element_type=jnp.float32)
    p_ref[...] = hm * dinv
    dinv_ref[...] = dinv

  return pl.pallas_call(
      body,
      grid=(grid,),
      in_specs=[
          pl.BlockSpec((RB, d), lambda i: (i, 0)),
          pl.BlockSpec((d, h), lambda i: (0, 0)),
          pl.BlockSpec((RB, 128), lambda i: (i, 0)),
          pl.BlockSpec((RB, 128), lambda i: (i, 0)),
      ],
      out_specs=[
          pl.BlockSpec((RB, h), lambda i: (i, 0)),
          pl.BlockSpec((RB, 1), lambda i: (i, 0)),
      ],
      out_shape=[
          jax.ShapeDtypeStruct((n, h), jnp.float32),
          jax.ShapeDtypeStruct((n, 1), jnp.float32),
      ],
  )(x, W1, dega, degb)


def _tc_p2(acca, accb, p1, dinv, b1, W2):
  n, h = p1.shape
  grid = n // RB

  def body(a_ref, b_ref, p_ref, dv_ref, bias_ref, w_ref, o_ref):
    dv = dv_ref[...]
    pre = (a_ref[...] + b_ref[...] + p_ref[...]) * dv + bias_ref[...]
    hid = jnp.maximum(pre, 0.0)
    o_ref[...] = jnp.dot(hid, w_ref[...],
                         preferred_element_type=jnp.float32) * dv

  return pl.pallas_call(
      body,
      grid=(grid,),
      in_specs=[
          pl.BlockSpec((RB, h), lambda i: (i, 0)),
          pl.BlockSpec((RB, h), lambda i: (i, 0)),
          pl.BlockSpec((RB, h), lambda i: (i, 0)),
          pl.BlockSpec((RB, 1), lambda i: (i, 0)),
          pl.BlockSpec((1, h), lambda i: (0, 0)),
          pl.BlockSpec((h, h), lambda i: (0, 0)),
      ],
      out_specs=pl.BlockSpec((RB, h), lambda i: (i, 0)),
      out_shape=jax.ShapeDtypeStruct((n, h), jnp.float32),
  )(acca, accb, p1, dinv, b1, W2)


def _tc_head(acca, accb, p2, dinv, b2, WlT, bl):
  n, h = p2.shape
  a = WlT.shape[1]
  grid = n // RB

  def body(a_ref, b_ref, p_ref, dv_ref, bias_ref, wt_ref, bl_ref, o_ref,
           sum_s, max_s):
    i = pl.program_id(0)
    pre = (a_ref[...] + b_ref[...] + p_ref[...]) * dv_ref[...] + bias_ref[...]
    hid = jnp.maximum(pre, 0.0)
    bsum = jnp.sum(hid, axis=0, keepdims=True)
    bmax = jnp.max(hid, axis=0, keepdims=True)

    @pl.when(i == 0)
    def _():
      sum_s[...] = bsum
      max_s[...] = bmax

    @pl.when(i > 0)
    def _():
      sum_s[...] += bsum
      max_s[...] = jnp.maximum(max_s[...], bmax)

    @pl.when(i == grid - 1)
    def _():
      g = jnp.concatenate(
          [sum_s[...] * (1.0 / n), max_s[...], sum_s[...]], axis=1)
      o_ref[...] = jnp.dot(g, wt_ref[...],
                           preferred_element_type=jnp.float32) + bl_ref[...]

  return pl.pallas_call(
      body,
      grid=(grid,),
      in_specs=[
          pl.BlockSpec((RB, h), lambda i: (i, 0)),
          pl.BlockSpec((RB, h), lambda i: (i, 0)),
          pl.BlockSpec((RB, h), lambda i: (i, 0)),
          pl.BlockSpec((RB, 1), lambda i: (i, 0)),
          pl.BlockSpec((1, h), lambda i: (0, 0)),
          pl.BlockSpec((3 * h, a), lambda i: (0, 0)),
          pl.BlockSpec((1, a), lambda i: (0, 0)),
      ],
      out_specs=pl.BlockSpec((1, a), lambda i: (0, 0)),
      out_shape=jax.ShapeDtypeStruct((1, a), jnp.float32),
      scratch_shapes=[
          pltpu.VMEM((1, h), jnp.float32),
          pltpu.VMEM((1, h), jnp.float32),
      ],
  )(acca, accb, p2, dinv, b2, WlT, bl)


def kernel(x, edge_index, pos, W1, b1, W2, b2, Wl, bl):
  n = x.shape[0]
  e = edge_index.shape[1]
  h = W1.shape[1]
  a = Wl.shape[0]

  npad = ((n + NS * 8 - 1) // (NS * 8)) * (NS * 8)
  src = edge_index[0]
  dst = edge_index[1]

  chunks = -(-e // (NW * K))
  epad = NW * chunks * K
  dst_deg = jnp.concatenate(
      [dst, jnp.full((epad - e,), npad - 1, jnp.int32)]).reshape(NW, chunks, K)

  chunks0 = max(2, int(round(0.618 * e / (NS * K))))
  chunks1 = -(-(e - NS * chunks0 * K) // (NS * K))
  e0 = NS * chunks0 * K
  e1 = NS * chunks1 * K
  src_a = jnp.concatenate([src, jnp.zeros((e0 + e1 - e,), jnp.int32)])
  dst_a = jnp.concatenate([dst, jnp.full((e0 + e1 - e,), npad - 1, jnp.int32)])
  fill = jnp.zeros((NS, chunks0 - chunks1, K), jnp.int32)
  src_agg = jnp.concatenate(
      [src_a[:e0].reshape(NS, chunks0, K),
       jnp.concatenate([src_a[e0:].reshape(NS, chunks1, K), fill], axis=1)])
  dst_agg = jnp.concatenate(
      [dst_a[:e0].reshape(NS, chunks0, K),
       jnp.concatenate([dst_a[e0:].reshape(NS, chunks1, K), fill], axis=1)])

  deg = _sc_deg(dst_deg, npad, chunks)
  p1, dinv = _tc_p1(x, W1, deg[0], deg[1])
  acc1 = _sc_agg(jnp.stack([p1, p1]), src_agg, dst_agg, npad, chunks0, chunks1)
  p2 = _tc_p2(acc1[0], acc1[1], p1, dinv, b1.reshape(1, h), W2)
  acc2 = _sc_agg(jnp.stack([p2, p2]), src_agg, dst_agg, npad, chunks0, chunks1)
  return _tc_head(acc2[0], acc2[1], p2, dinv, b2.reshape(1, h),
                  Wl.T, bl.reshape(1, a))

# --- scband reference (transcript-rebuilt; emitter-appended) ---
"""Pipeline reference for scband-qfunction-25632364822817 (READ-ONLY COPY).

The authoritative reference and input builder live on the scoring server;
editing this copy changes nothing except your own understanding.
"""

import jax, jax.numpy as jnp
import numpy as np

N = 10000
E = 320000
D = 128
H = 128
A = 16


def glorot(key, shape):
    fan_in, fan_out = shape[0], shape[1]
    limit = np.sqrt(6.0 / (fan_in + fan_out))
    return jax.random.uniform(key, shape, dtype=jnp.float32, minval=-limit, maxval=limit)


def setup_inputs(seed: int = 0) -> dict:
    key = jax.random.key(seed)
    ks = jax.random.split(key, 8)
    x = jax.random.normal(ks[0], (N, D), dtype=jnp.float32)
    edge_index = jax.random.randint(ks[1], (2, E), 0, N, dtype=jnp.int32)
    pos = jax.random.normal(ks[2], (N, 3), dtype=jnp.float32)
    W1 = glorot(ks[3], (D, H))
    b1 = jnp.zeros((H,), dtype=jnp.float32)
    W2 = glorot(ks[4], (H, H))
    b2 = jnp.zeros((H,), dtype=jnp.float32)
    Wl = glorot(ks[5], (A, 3 * H))
    bl = jnp.zeros((A,), dtype=jnp.float32)
    return {"x": x, "edge_index": edge_index, "pos": pos, "W1": W1, "b1": b1, "W2": W2, "b2": b2, "Wl": Wl, "bl": bl}


def gcn_conv(x, src, dst, W, b, num_nodes):
    # PyG GCNConv: lin -> add self loops -> sym-normalized scatter-add -> + bias
    loop = jnp.arange(num_nodes, dtype=src.dtype)
    s = jnp.concatenate([src, loop])
    d = jnp.concatenate([dst, loop])
    deg = jnp.zeros((num_nodes,), dtype=jnp.float32).at[d].add(1.0)
    dinv = jnp.where(deg > 0, deg ** -0.5, 0.0)
    norm = dinv[s] * dinv[d]
    h = x @ W
    msg = h[s] * norm[:, None]
    out = jnp.zeros((num_nodes, h.shape[1]), dtype=jnp.float32).at[d].add(msg)
    return out + b


def reference(x, edge_index, pos, W1, b1, W2, b2, Wl, bl):
    src, dst = edge_index[0], edge_index[1]
    h = jax.nn.relu(gcn_conv(x, src, dst, W1, b1, N))
    h = jax.nn.relu(gcn_conv(h, src, dst, W2, b2, N))
    # batch = all zeros -> single-graph global pools
    g_mean = jnp.mean(h, axis=0, keepdims=True)
    g_max = jnp.max(h, axis=0, keepdims=True)
    g_sum = jnp.sum(h, axis=0, keepdims=True)
    g = jnp.concatenate([g_mean, g_max, g_sum], axis=1)
    # dropout skipped (deterministic reference / eval behavior)
    return g @ Wl.T + bl

if __name__ == "__main__":
    import jax
    _d = setup_inputs()
    print(jax.jit(kernel)(*tuple(_d.values())))

</pallas_src>

<mosaic_0001>
#map = affine_map<(d0, d1) -> (0, 0, 0)>
module attributes {stable_mosaic.version = 14 : i64} {
  func.func @deg_kernel(%arg0: i32, %arg1: i32, %arg2: memref<32x79x128xi32, #tpu.memory_space<hbm>>, %arg3: memref<2x10112x128xf32, #tpu.memory_space<hbm>>, %arg4: memref<79x128xi32, #tpu.memory_space<vmem>>, %arg5: memref<128x128xf32, #tpu.memory_space<vmem>>, %arg6: memref<8x128xf32, #tpu.memory_space<vmem>>, %arg7: memref<10112x128xf32, #tpu.memory_space<vmem_shared>>) attributes {dimension_semantics = [#tpu.dimension_semantics<core_parallel>, #tpu.dimension_semantics<subcore_parallel>], iteration_bounds = array<i64: 2, 16>, scalar_prefetch = 0 : i64, scratch_operands = 4 : i64, tpu.core_type = #tpu.core_type<sc_vector_subcore>, window_params = [{transform_indices = #map}, {transform_indices = #map}]} {
    %mul3A = arith.constant 16 : i32
    %mul3A_0 = arith.muli %arg0, %mul3A : i32
    %add3A = arith.addi %mul3A_0, %arg1 : i32
    "tpu.region"() ({
      %run_scoped3A = tpu.sem_alloc : memref<!tpu.dma_semaphore, #tpu.memory_space<semaphore_mem>>
      %dma_start3A = arith.constant 0 : i32
      %dma_start3A_25 = arith.constant 0 : i32
      %dma_start3A_26 = tpu.memref_slice %arg2[%add3A, %dma_start3A, %dma_start3A_25] : memref<32x79x128xi32, #tpu.memory_space<hbm>> -> memref<1x79x128xi32, #tpu.memory_space<hbm>>
      %dma_start3A_27 = tpu.memref_squeeze %dma_start3A_26 : memref<1x79x128xi32, #tpu.memory_space<hbm>> -> memref<79x128xi32, #tpu.memory_space<hbm>>
      %dma_start3A_28 = arith.constant 0 : i32
      %dma_start3A_29 = arith.constant 0 : i32
      %dma_start3A_30 = tpu.memref_slice %arg2[%add3A, %dma_start3A_28, %dma_start3A_29] : memref<32x79x128xi32, #tpu.memory_space<hbm>> -> memref<1x79x128xi32, #tpu.memory_space<hbm>>
      %dma_start3A_31 = tpu.memref_squeeze %dma_start3A_30 : memref<1x79x128xi32, #tpu.memory_space<hbm>> -> memref<79x128xi32, #tpu.memory_space<hbm>>
      tpu.enqueue_dma source(%dma_start3A_31 : memref<79x128xi32, #tpu.memory_space<hbm>>) target(%arg4 : memref<79x128xi32, #tpu.memory_space<vmem>>) target_semaphore(%run_scoped3A : memref<!tpu.dma_semaphore, #tpu.memory_space<semaphore_mem>>)
      %dma_wait3A = arith.constant 0 : i32
      %dma_wait3A_32 = arith.constant 0 : i32
      %dma_wait3A_33 = tpu.memref_slice %arg2[%add3A, %dma_wait3A, %dma_wait3A_32] : memref<32x79x128xi32, #tpu.memory_space<hbm>> -> memref<1x79x128xi32, #tpu.memory_space<hbm>>
      %dma_wait3A_34 = tpu.memref_squeeze %dma_wait3A_33 : memref<1x79x128xi32, #tpu.memory_space<hbm>> -> memref<79x128xi32, #tpu.memory_space<hbm>>
      %dma_wait3A_35 = arith.constant 0 : i32
      %dma_wait3A_36 = arith.constant 0 : i32
      %dma_wait3A_37 = tpu.memref_slice %arg2[%add3A, %dma_wait3A_35, %dma_wait3A_36] : memref<32x79x128xi32, #tpu.memory_space<hbm>> -> memref<1x79x128xi32, #tpu.memory_space<hbm>>
      %dma_wait3A_38 = tpu.memref_squeeze %dma_wait3A_37 : memref<1x79x128xi32, #tpu.memory_space<hbm>> -> memref<79x128xi32, #tpu.memory_space<hbm>>
      tpu.wait_dma2 semaphore(%run_scoped3A : memref<!tpu.dma_semaphore, #tpu.memory_space<semaphore_mem>>) src(%dma_wait3A_38 : memref<79x128xi32, #tpu.memory_space<hbm>>) dst(%arg4 : memref<79x128xi32, #tpu.memory_space<vmem>>)
      tpu.yield
    }) : () -> ()
    %scan3A = arith.constant 0 : i32
    %scan3A_1 = arith.constant 8 : i32
    %scan3A_2 = arith.addi %scan3A, %scan3A_1 : i32
    %scan3A_3 = arith.constant 1 : i32
    scf.for %scan3A_25 = %scan3A to %scan3A_2 step %scan3A_3  : i32 {
      %mul3A_26 = arith.constant 1 : i32
      %mul3A_27 = arith.muli %scan3A_25, %mul3A_26 : i32
      %add3A_28 = arith.constant 0 : i32
      %add3A_29 = arith.addi %add3A_28, %mul3A_27 : i32
      %scan3A_30 = arith.constant 0 : i32
      %scan3A_31 = arith.constant 8 : i32
      %scan3A_32 = arith.addi %scan3A_30, %scan3A_31 : i32
      %scan3A_33 = arith.constant 1 : i32
      scf.for %scan3A_35 = %scan3A_30 to %scan3A_32 step %scan3A_33  : i32 {
        %mul3A_36 = arith.constant 1 : i32
        %mul3A_37 = arith.muli %scan3A_35, %mul3A_36 : i32
        %add3A_38 = arith.constant 0 : i32
        %add3A_39 = arith.addi %add3A_38, %mul3A_37 : i32
        %broadcast_in_dim3A = arith.constant 0.000000e+00 : f32
        %broadcast_in_dim3A_40 = vector.broadcast %broadcast_in_dim3A : f32 to vector<16xf32>
        %mul3A_41 = arith.constant 16 : i32
        %mul3A_42 = arith.muli %add3A_39, %mul3A_41 : i32
        %swap3A = arith.index_cast %add3A_29 : i32 to index
        %swap3A_43 = arith.index_cast %mul3A_42 : i32 to index
        %swap3A_44 = tpu.vector_load %arg6[%swap3A, %swap3A_43] {strides = array<i32>} : memref<8x128xf32, #tpu.memory_space<vmem>>, vector<1x16xf32>,
        %swap3A_45 = vector.shape_cast %swap3A_44 : vector<1x16xf32> to vector<16xf32>
        %swap3A_46 = vector.shape_cast %broadcast_in_dim3A_40 : vector<16xf32> to vector<1x16xf32>
        tpu.vector_store %arg6[%swap3A, %swap3A_43], %swap3A_46 {strides = array<i32>} : memref<8x128xf32, #tpu.memory_space<vmem>>, vector<1x16xf32>,
      }
      %scan3A_34 = arith.constant 8 : i32
    }
    %scan3A_4 = arith.constant 8 : i32
    %scan3A_5 = arith.constant 0 : i32
    %scan3A_6 = arith.constant 128 : i32
    %scan3A_7 = arith.addi %scan3A_5, %scan3A_6 : i32
    %scan3A_8 = arith.constant 1 : i32
    scf.for %scan3A_25 = %scan3A_5 to %scan3A_7 step %scan3A_8  : i32 {
      %mul3A_26 = arith.constant 1 : i32
      %mul3A_27 = arith.muli %scan3A_25, %mul3A_26 : i32
      %add3A_28 = arith.constant 0 : i32
      %add3A_29 = arith.addi %add3A_28, %mul3A_27 : i32
      %scan3A_30 = arith.constant 0 : i32
      %scan3A_31 = arith.constant 8 : i32
      %scan3A_32 = arith.addi %scan3A_30, %scan3A_31 : i32
      %scan3A_33 = arith.constant 1 : i32
      scf.for %scan3A_35 = %scan3A_30 to %scan3A_32 step %scan3A_33  : i32 {
        %mul3A_36 = arith.constant 1 : i32
        %mul3A_37 = arith.muli %scan3A_35, %mul3A_36 : i32
        %add3A_38 = arith.constant 0 : i32
        %add3A_39 = arith.addi %add3A_38, %mul3A_37 : i32
        %broadcast_in_dim3A = arith.constant 1.000000e+00 : f32
        %broadcast_in_dim3A_40 = vector.broadcast %broadcast_in_dim3A : f32 to vector<16xf32>
        %mul3A_41 = arith.constant 16 : i32
        %mul3A_42 = arith.muli %add3A_39, %mul3A_41 : i32
        %swap3A = arith.index_cast %add3A_29 : i32 to index
        %swap3A_43 = arith.index_cast %mul3A_42 : i32 to index
        %swap3A_44 = tpu.vector_load %arg5[%swap3A, %swap3A_43] {strides = array<i32>} : memref<128x128xf32, #tpu.memory_space<vmem>>, vector<1x16xf32>,
        %swap3A_45 = vector.shape_cast %swap3A_44 : vector<1x16xf32> to vector<16xf32>
        %swap3A_46 = vector.shape_cast %broadcast_in_dim3A_40 : vector<16xf32> to vector<1x16xf32>
        tpu.vector_store %arg5[%swap3A, %swap3A_43], %swap3A_46 {strides = array<i32>} : memref<128x128xf32, #tpu.memory_space<vmem>>, vector<1x16xf32>,
      }
      %scan3A_34 = arith.constant 8 : i32
    }
    %scan3A_9 = arith.constant 128 : i32
    %scan3A_10 = arith.constant 0 : i32
    %scan3A_11 = arith.constant 79 : i32
    %scan3A_12 = arith.addi %scan3A_10, %scan3A_11 : i32
    %scan3A_13 = arith.constant 1 : i32
    scf.for %scan3A_25 = %scan3A_10 to %scan3A_12 step %scan3A_13  : i32 {
      %mul3A_26 = arith.constant 1 : i32
      %mul3A_27 = arith.muli %scan3A_25, %mul3A_26 : i32
      %add3A_28 = arith.constant 0 : i32
      %add3A_29 = arith.addi %add3A_28, %mul3A_27 : i32
      %mul3A_30 = arith.constant 632 : i32
      %mul3A_31 = arith.muli %arg1, %mul3A_30 : i32
      %mul3A_32 = arith.constant 8 : i32
      %mul3A_33 = arith.muli %add3A_29, %mul3A_32 : i32
      %add3A_34 = arith.addi %mul3A_31, %mul3A_33 : i32
      "tpu.region"() ({
        %run_scoped3A = tpu.sem_alloc : memref<!tpu.dma_semaphore, #tpu.memory_space<semaphore_mem>>
        %dma_start3A = arith.constant 0 : i32
        %dma_start3A_35 = tpu.memref_slice %arg7[%add3A_34, %dma_start3A] : memref<10112x128xf32, #tpu.memory_space<vmem_shared>> -> memref<8x128xf32, #tpu.memory_space<vmem_shared>>
        %dma_start3A_36 = arith.constant 0 : i32
        %dma_start3A_37 = tpu.memref_slice %arg7[%add3A_34, %dma_start3A_36] : memref<10112x128xf32, #tpu.memory_space<vmem_shared>> -> memref<8x128xf32, #tpu.memory_space<vmem_shared>>
        tpu.enqueue_dma source(%arg6 : memref<8x128xf32, #tpu.memory_space<vmem>>) target(%dma_start3A_37 : memref<8x128xf32, #tpu.memory_space<vmem_shared>>) target_semaphore(%run_scoped3A : memref<!tpu.dma_semaphore, #tpu.memory_space<semaphore_mem>>)
        %dma_wait3A = arith.constant 0 : i32
        %dma_wait3A_38 = tpu.memref_slice %arg7[%add3A_34, %dma_wait3A] : memref<10112x128xf32, #tpu.memory_space<vmem_shared>> -> memref<8x128xf32, #tpu.memory_space<vmem_shared>>
        %dma_wait3A_39 = arith.constant 0 : i32
        %dma_wait3A_40 = tpu.memref_slice %arg7[%add3A_34, %dma_wait3A_39] : memref<10112x128xf32, #tpu.memory_space<vmem_shared>> -> memref<8x128xf32, #tpu.memory_space<vmem_shared>>
        tpu.wait_dma2 semaphore(%run_scoped3A : memref<!tpu.dma_semaphore, #tpu.memory_space<semaphore_mem>>) src(%arg6 : memref<8x128xf32, #tpu.memory_space<vmem>>) dst(%dma_wait3A_40 : memref<8x128xf32, #tpu.memory_space<vmem_shared>>)
        tpu.yield
      }) : () -> ()
    }
    %scan3A_14 = arith.constant 79 : i32
    %barrier3A = arith.constant 0 : index
    tpu.barrier barrier_id(%barrier3A)
    %scan3A_15 = arith.constant 0 : i32
    %scan3A_16 = arith.constant 79 : i32
    %scan3A_17 = arith.addi %scan3A_15, %scan3A_16 : i32
    %scan3A_18 = arith.constant 1 : i32
    scf.for %scan3A_25 = %scan3A_15 to %scan3A_17 step %scan3A_18  : i32 {
      %mul3A_26 = arith.constant 1 : i32
      %mul3A_27 = arith.muli %scan3A_25, %mul3A_26 : i32
      %add3A_28 = arith.constant 0 : i32
      %add3A_29 = arith.addi %add3A_28, %mul3A_27 : i32
      "tpu.region"() ({
        %run_scoped3A = tpu.sem_alloc : memref<!tpu.dma_semaphore, #tpu.memory_space<semaphore_mem>>
        %dma_start3A = arith.constant 0 : i32
        %dma_start3A_30 = tpu.memref_slice %arg4[%add3A_29, %dma_start3A] : memref<79x128xi32, #tpu.memory_space<vmem>> -> memref<1x128xi32, #tpu.memory_space<vmem>>
        %dma_start3A_31 = tpu.memref_squeeze %dma_start3A_30 : memref<1x128xi32, #tpu.memory_space<vmem>> -> memref<128xi32, #tpu.memory_space<vmem>>
        %dma_start3A_32 = arith.constant 0 : i32
        %dma_start3A_33 = arith.constant 0 : i32
        %dma_start3A_34 = tpu.memref_slice %arg7[%dma_start3A_32, %dma_start3A_33] : memref<10112x128xf32, #tpu.memory_space<vmem_shared>> -> memref<10112x128xf32, #tpu.memory_space<vmem_shared>>
        tpu.enqueue_indirect_dma source(%arg5 : memref<128x128xf32, #tpu.memory_space<vmem>>) target(%dma_start3A_34 : memref<10112x128xf32, #tpu.memory_space<vmem_shared>>) offsets(%dma_start3A_31 : memref<128xi32, #tpu.memory_space<vmem>>) semaphore(%run_scoped3A : memref<!tpu.dma_semaphore, #tpu.memory_space<semaphore_mem>>) {add = true}
        %dma_wait3A = arith.constant 0 : i32
        %dma_wait3A_35 = tpu.memref_slice %arg4[%add3A_29, %dma_wait3A] : memref<79x128xi32, #tpu.memory_space<vmem>> -> memref<1x128xi32, #tpu.memory_space<vmem>>
        %dma_wait3A_36 = tpu.memref_squeeze %dma_wait3A_35 : memref<1x128xi32, #tpu.memory_space<vmem>> -> memref<128xi32, #tpu.memory_space<vmem>>
        %dma_wait3A_37 = arith.constant 0 : i32
        %dma_wait3A_38 = arith.constant 0 : i32
        %dma_wait3A_39 = tpu.memref_slice %arg7[%dma_wait3A_37, %dma_wait3A_38] : memref<10112x128xf32, #tpu.memory_space<vmem_shared>> -> memref<10112x128xf32, #tpu.memory_space<vmem_shared>>
        tpu.wait_indirect_dma semaphore(%run_scoped3A : memref<!tpu.dma_semaphore, #tpu.memory_space<semaphore_mem>>) src(%arg5 : memref<128x128xf32, #tpu.memory_space<vmem>>) dst(%dma_wait3A_39 : memref<10112x128xf32, #tpu.memory_space<vmem_shared>>)
        tpu.yield
      }) : () -> ()
    }
    %scan3A_19 = arith.constant 79 : i32
    %barrier3A_20 = arith.constant 0 : index
    tpu.barrier barrier_id(%barrier3A_20)
    %mul3A_21 = arith.constant 632 : i32
    %mul3A_22 = arith.muli %arg1, %mul3A_21 : i32
    %mul3A_23 = arith.constant 632 : i32
    %mul3A_24 = arith.muli %arg1, %mul3A_23 : i32
    "tpu.region"() ({
      %run_scoped3A = tpu.sem_alloc : memref<!tpu.dma_semaphore, #tpu.memory_space<semaphore_mem>>
      %dma_start3A = arith.constant 0 : i32
      %dma_start3A_25 = tpu.memref_slice %arg3[%arg0, %mul3A_24, %dma_start3A] : memref<2x10112x128xf32, #tpu.memory_space<hbm>> -> memref<1x632x128xf32, #tpu.memory_space<hbm>>
      %dma_start3A_26 = tpu.memref_squeeze %dma_start3A_25 : memref<1x632x128xf32, #tpu.memory_space<hbm>> -> memref<632x128xf32, #tpu.memory_space<hbm>>
      %dma_start3A_27 = arith.constant 0 : i32
      %dma_start3A_28 = tpu.memref_slice %arg7[%mul3A_22, %dma_start3A_27] : memref<10112x128xf32, #tpu.memory_space<vmem_shared>> -> memref<632x128xf32, #tpu.memory_space<vmem_shared>>
      tpu.enqueue_dma source(%dma_start3A_28 : memref<632x128xf32, #tpu.memory_space<vmem_shared>>) target(%dma_start3A_26 : memref<632x128xf32, #tpu.memory_space<hbm>>) target_semaphore(%run_scoped3A : memref<!tpu.dma_semaphore, #tpu.memory_space<semaphore_mem>>)
      %dma_wait3A = arith.constant 0 : i32
      %dma_wait3A_29 = tpu.memref_slice %arg3[%arg0, %mul3A_24, %dma_wait3A] : memref<2x10112x128xf32, #tpu.memory_space<hbm>> -> memref<1x632x128xf32, #tpu.memory_space<hbm>>
      %dma_wait3A_30 = tpu.memref_squeeze %dma_wait3A_29 : memref<1x632x128xf32, #tpu.memory_space<hbm>> -> memref<632x128xf32, #tpu.memory_space<hbm>>
      %dma_wait3A_31 = arith.constant 0 : i32
      %dma_wait3A_32 = tpu.memref_slice %arg7[%mul3A_22, %dma_wait3A_31] : memref<10112x128xf32, #tpu.memory_space<vmem_shared>> -> memref<632x128xf32, #tpu.memory_space<vmem_shared>>
      tpu.wait_dma2 semaphore(%run_scoped3A : memref<!tpu.dma_semaphore, #tpu.memory_space<semaphore_mem>>) src(%dma_wait3A_32 : memref<632x128xf32, #tpu.memory_space<vmem_shared>>) dst(%dma_wait3A_30 : memref<632x128xf32, #tpu.memory_space<hbm>>)
      tpu.yield
    }) : () -> ()
    return
  }
}

#map = affine_map<(d0, d1) -> (0, 0, 0)>
module attributes {stable_mosaic.version = 14 : i64} {
  func.func @agg_kernel(%arg0: i32, %arg1: i32, %arg2: memref<2x10000x128xf32, #tpu.memory_space<hbm>>, %arg3: memref<32x97x128xi32, #tpu.memory_space<hbm>>, %arg4: memref<32x97x128xi32, #tpu.memory_space<hbm>>, %arg5: memref<2x10112x128xf32, #tpu.memory_space<hbm>>, %arg6: memref<97x128xi32, #tpu.memory_space<vmem>>, %arg7: memref<97x128xi32, #tpu.memory_space<vmem>>, %arg8: memref<128x128xf32, #tpu.memory_space<vmem>>, %arg9: memref<8x128xf32, #tpu.memory_space<vmem>>, %arg10: memref<10112x128xf32, #tpu.memory_space<vmem_shared>>, %arg11: memref<!tpu.dma_semaphore, #tpu.memory_space<semaphore_mem>>) attributes {dimension_semantics = [#tpu.dimension_semantics<core_parallel>, #tpu.dimension_semantics<subcore_parallel>], iteration_bounds = array<i64: 2, 16>, scalar_prefetch = 0 : i64, scratch_operands = 6 : i64, tpu.core_type = #tpu.core_type<sc_vector_subcore>, window_params = [{transform_indices = #map}, {transform_indices = #map}, {transform_indices = #map}, {transform_indices = #map}]} {
    %mul3A = arith.constant 16 : i32
    %mul3A_0 = arith.muli %arg0, %mul3A : i32
    %add3A = arith.addi %mul3A_0, %arg1 : i32
    "tpu.region"() ({
      %run_scoped3A = tpu.sem_alloc : memref<!tpu.dma_semaphore, #tpu.memory_space<semaphore_mem>>
      %dma_start3A = arith.constant 0 : i32
      %dma_start3A_33 = arith.constant 0 : i32
      %dma_start3A_34 = tpu.memref_slice %arg3[%add3A, %dma_start3A, %dma_start3A_33] : memref<32x97x128xi32, #tpu.memory_space<hbm>> -> memref<1x97x128xi32, #tpu.memory_space<hbm>>
      %dma_start3A_35 = tpu.memref_squeeze %dma_start3A_34 : memref<1x97x128xi32, #tpu.memory_space<hbm>> -> memref<97x128xi32, #tpu.memory_space<hbm>>
      %dma_start3A_36 = arith.constant 0 : i32
      %dma_start3A_37 = arith.constant 0 : i32
      %dma_start3A_38 = tpu.memref_slice %arg3[%add3A, %dma_start3A_36, %dma_start3A_37] : memref<32x97x128xi32, #tpu.memory_space<hbm>> -> memref<1x97x128xi32, #tpu.memory_space<hbm>>
      %dma_start3A_39 = tpu.memref_squeeze %dma_start3A_38 : memref<1x97x128xi32, #tpu.memory_space<hbm>> -> memref<97x128xi32, #tpu.memory_space<hbm>>
      tpu.enqueue_dma source(%dma_start3A_39 : memref<97x128xi32, #tpu.memory_space<hbm>>) target(%arg6 : memref<97x128xi32, #tpu.memory_space<vmem>>) target_semaphore(%run_scoped3A : memref<!tpu.dma_semaphore, #tpu.memory_space<semaphore_mem>>)
      %dma_wait3A = arith.constant 0 : i32
      %dma_wait3A_40 = arith.constant 0 : i32
      %dma_wait3A_41 = tpu.memref_slice %arg3[%add3A, %dma_wait3A, %dma_wait3A_40] : memref<32x97x128xi32, #tpu.memory_space<hbm>> -> memref<1x97x128xi32, #tpu.memory_space<hbm>>
      %dma_wait3A_42 = tpu.memref_squeeze %dma_wait3A_41 : memref<1x97x128xi32, #tpu.memory_space<hbm>> -> memref<97x128xi32, #tpu.memory_space<hbm>>
      %dma_wait3A_43 = arith.constant 0 : i32
      %dma_wait3A_44 = arith.constant 0 : i32
      %dma_wait3A_45 = tpu.memref_slice %arg3[%add3A, %dma_wait3A_43, %dma_wait3A_44] : memref<32x97x128xi32, #tpu.memory_space<hbm>> -> memref<1x97x128xi32, #tpu.memory_space<hbm>>
      %dma_wait3A_46 = tpu.memref_squeeze %dma_wait3A_45 : memref<1x97x128xi32, #tpu.memory_space<hbm>> -> memref<97x128xi32, #tpu.memory_space<hbm>>
      tpu.wait_dma2 semaphore(%run_scoped3A : memref<!tpu.dma_semaphore, #tpu.memory_space<semaphore_mem>>) src(%dma_wait3A_46 : memref<97x128xi32, #tpu.memory_space<hbm>>) dst(%arg6 : memref<97x128xi32, #tpu.memory_space<vmem>>)
      tpu.yield
    }) : () -> ()
    "tpu.region"() ({
      %run_scoped3A = tpu.sem_alloc : memref<!tpu.dma_semaphore, #tpu.memory_space<semaphore_mem>>
      %dma_start3A = arith.constant 0 : i32
      %dma_start3A_33 = arith.constant 0 : i32
      %dma_start3A_34 = tpu.memref_slice %arg4[%add3A, %dma_start3A, %dma_start3A_33] : memref<32x97x128xi32, #tpu.memory_space<hbm>> -> memref<1x97x128xi32, #tpu.memory_space<hbm>>
      %dma_start3A_35 = tpu.memref_squeeze %dma_start3A_34 : memref<1x97x128xi32, #tpu.memory_space<hbm>> -> memref<97x128xi32, #tpu.memory_space<hbm>>
      %dma_start3A_36 = arith.constant 0 : i32
      %dma_start3A_37 = arith.constant 0 : i32
      %dma_start3A_38 = tpu.memref_slice %arg4[%add3A, %dma_start3A_36, %dma_start3A_37] : memref<32x97x128xi32, #tpu.memory_space<hbm>> -> memref<1x97x128xi32, #tpu.memory_space<hbm>>
      %dma_start3A_39 = tpu.memref_squeeze %dma_start3A_38 : memref<1x97x128xi32, #tpu.memory_space<hbm>> -> memref<97x128xi32, #tpu.memory_space<hbm>>
      tpu.enqueue_dma source(%dma_start3A_39 : memref<97x128xi32, #tpu.memory_space<hbm>>) target(%arg7 : memref<97x128xi32, #tpu.memory_space<vmem>>) target_semaphore(%run_scoped3A : memref<!tpu.dma_semaphore, #tpu.memory_space<semaphore_mem>>)
      %dma_wait3A = arith.constant 0 : i32
      %dma_wait3A_40 = arith.constant 0 : i32
      %dma_wait3A_41 = tpu.memref_slice %arg4[%add3A, %dma_wait3A, %dma_wait3A_40] : memref<32x97x128xi32, #tpu.memory_space<hbm>> -> memref<1x97x128xi32, #tpu.memory_space<hbm>>
      %dma_wait3A_42 = tpu.memref_squeeze %dma_wait3A_41 : memref<1x97x128xi32, #tpu.memory_space<hbm>> -> memref<97x128xi32, #tpu.memory_space<hbm>>
      %dma_wait3A_43 = arith.constant 0 : i32
      %dma_wait3A_44 = arith.constant 0 : i32
      %dma_wait3A_45 = tpu.memref_slice %arg4[%add3A, %dma_wait3A_43, %dma_wait3A_44] : memref<32x97x128xi32, #tpu.memory_space<hbm>> -> memref<1x97x128xi32, #tpu.memory_space<hbm>>
      %dma_wait3A_46 = tpu.memref_squeeze %dma_wait3A_45 : memref<1x97x128xi32, #tpu.memory_space<hbm>> -> memref<97x128xi32, #tpu.memory_space<hbm>>
      tpu.wait_dma2 semaphore(%run_scoped3A : memref<!tpu.dma_semaphore, #tpu.memory_space<semaphore_mem>>) src(%dma_wait3A_46 : memref<97x128xi32, #tpu.memory_space<hbm>>) dst(%arg7 : memref<97x128xi32, #tpu.memory_space<vmem>>)
      tpu.yield
    }) : () -> ()
    %scan3A = arith.constant 0 : i32
    %scan3A_1 = arith.constant 8 : i32
    %scan3A_2 = arith.addi %scan3A, %scan3A_1 : i32
    %scan3A_3 = arith.constant 1 : i32
    scf.for %scan3A_33 = %scan3A to %scan3A_2 step %scan3A_3  : i32 {
      %mul3A_34 = arith.constant 1 : i32
      %mul3A_35 = arith.muli %scan3A_33, %mul3A_34 : i32
      %add3A_36 = arith.constant 0 : i32
      %add3A_37 = arith.addi %add3A_36, %mul3A_35 : i32
      %scan3A_38 = arith.constant 0 : i32
      %scan3A_39 = arith.constant 8 : i32
      %scan3A_40 = arith.addi %scan3A_38, %scan3A_39 : i32
      %scan3A_41 = arith.constant 1 : i32
      scf.for %scan3A_43 = %scan3A_38 to %scan3A_40 step %scan3A_41  : i32 {
        %mul3A_44 = arith.constant 1 : i32
        %mul3A_45 = arith.muli %scan3A_43, %mul3A_44 : i32
        %add3A_46 = arith.constant 0 : i32
        %add3A_47 = arith.addi %add3A_46, %mul3A_45 : i32
        %broadcast_in_dim3A = arith.constant 0.000000e+00 : f32
        %broadcast_in_dim3A_48 = vector.broadcast %broadcast_in_dim3A : f32 to vector<16xf32>
        %mul3A_49 = arith.constant 16 : i32
        %mul3A_50 = arith.muli %add3A_47, %mul3A_49 : i32
        %swap3A = arith.index_cast %add3A_37 : i32 to index
        %swap3A_51 = arith.index_cast %mul3A_50 : i32 to index
        %swap3A_52 = tpu.vector_load %arg9[%swap3A, %swap3A_51] {strides = array<i32>} : memref<8x128xf32, #tpu.memory_space<vmem>>, vector<1x16xf32>,
        %swap3A_53 = vector.shape_cast %swap3A_52 : vector<1x16xf32> to vector<16xf32>
        %swap3A_54 = vector.shape_cast %broadcast_in_dim3A_48 : vector<16xf32> to vector<1x16xf32>
        tpu.vector_store %arg9[%swap3A, %swap3A_51], %swap3A_54 {strides = array<i32>} : memref<8x128xf32, #tpu.memory_space<vmem>>, vector<1x16xf32>,
      }
      %scan3A_42 = arith.constant 8 : i32
    }
    %scan3A_4 = arith.constant 8 : i32
    %scan3A_5 = arith.constant 0 : i32
    %scan3A_6 = arith.constant 79 : i32
    %scan3A_7 = arith.addi %scan3A_5, %scan3A_6 : i32
    %scan3A_8 = arith.constant 1 : i32
    scf.for %scan3A_33 = %scan3A_5 to %scan3A_7 step %scan3A_8  : i32 {
      %mul3A_34 = arith.constant 1 : i32
      %mul3A_35 = arith.muli %scan3A_33, %mul3A_34 : i32
      %add3A_36 = arith.constant 0 : i32
      %add3A_37 = arith.addi %add3A_36, %mul3A_35 : i32
      %mul3A_38 = arith.constant 632 : i32
      %mul3A_39 = arith.muli %arg1, %mul3A_38 : i32
      %mul3A_40 = arith.constant 8 : i32
      %mul3A_41 = arith.muli %add3A_37, %mul3A_40 : i32
      %add3A_42 = arith.addi %mul3A_39, %mul3A_41 : i32
      "tpu.region"() ({
        %run_scoped3A = tpu.sem_alloc : memref<!tpu.dma_semaphore, #tpu.memory_space<semaphore_mem>>
        %dma_start3A = arith.constant 0 : i32
        %dma_start3A_43 = tpu.memref_slice %arg10[%add3A_42, %dma_start3A] : memref<10112x128xf32, #tpu.memory_space<vmem_shared>> -> memref<8x128xf32, #tpu.memory_space<vmem_shared>>
        %dma_start3A_44 = arith.constant 0 : i32
        %dma_start3A_45 = tpu.memref_slice %arg10[%add3A_42, %dma_start3A_44] : memref<10112x128xf32, #tpu.memory_space<vmem_shared>> -> memref<8x128xf32, #tpu.memory_space<vmem_shared>>
        tpu.enqueue_dma source(%arg9 : memref<8x128xf32, #tpu.memory_space<vmem>>) target(%dma_start3A_45 : memref<8x128xf32, #tpu.memory_space<vmem_shared>>) target_semaphore(%run_scoped3A : memref<!tpu.dma_semaphore, #tpu.memory_space<semaphore_mem>>)
        %dma_wait3A = arith.constant 0 : i32
        %dma_wait3A_46 = tpu.memref_slice %arg10[%add3A_42, %dma_wait3A] : memref<10112x128xf32, #tpu.memory_space<vmem_shared>> -> memref<8x128xf32, #tpu.memory_space<vmem_shared>>
        %dma_wait3A_47 = arith.constant 0 : i32
        %dma_wait3A_48 = tpu.memref_slice %arg10[%add3A_42, %dma_wait3A_47] : memref<10112x128xf32, #tpu.memory_space<vmem_shared>> -> memref<8x128xf32, #tpu.memory_space<vmem_shared>>
        tpu.wait_dma2 semaphore(%run_scoped3A : memref<!tpu.dma_semaphore, #tpu.memory_space<semaphore_mem>>) src(%arg9 : memref<8x128xf32, #tpu.memory_space<vmem>>) dst(%dma_wait3A_48 : memref<8x128xf32, #tpu.memory_space<vmem_shared>>)
        tpu.yield
      }) : () -> ()
    }
    %scan3A_9 = arith.constant 79 : i32
    %barrier3A = arith.constant 0 : index
    tpu.barrier barrier_id(%barrier3A)
    %eq3A = arith.constant 0 : i32
    %eq3A_10 = arith.cmpi eq, %arg0, %eq3A : i32
    %jit3A = arith.constant 97 : i32
    %jit3A_11 = arith.constant 60 : i32
    %select_n3A = arith.select %eq3A_10, %jit3A, %jit3A_11 : i32
    %sub3A = arith.constant 0 : i32
    %sub3A_12 = arith.subi %select_n3A, %sub3A : i32
    %sub3A_13 = arith.constant 1 : i32
    %sub3A_14 = arith.constant 1 : i32
    %sub3A_15 = arith.subi %sub3A_13, %sub3A_14 : i32
    %add3A_16 = arith.addi %sub3A_12, %sub3A_15 : i32
    %div3A = arith.constant 1 : i32
    %div3A_17 = arith.divsi %add3A_16, %div3A : i32
    %while3A = arith.constant 1 : i32
    %while3A_18 = arith.constant 0 : i32
    %while3A_19 = arith.constant 0 : i32
    %while3A_20 = arith.subi %div3A_17, %while3A_19 : i32
    %while3A_21 = arith.addi %while3A_19, %while3A_20 : i32
    %while3A_22 = arith.constant 1 : i32
    %while3A_23 = arith.divsi %while3A_20, %while3A_22 : i32
    %while3A_24 = arith.muli %while3A_23, %while3A_22 : i32
    %while3A_25 = arith.addi %while3A_19, %while3A_24 : i32
    %while3A_26 = arith.constant 1 : i32
    scf.for %while3A_33 = %while3A_19 to %while3A_25 step %while3A_26  : i32 {
      %mul3A_34 = arith.muli %while3A_33, %while3A : i32
      %add3A_35 = arith.addi %while3A_18, %mul3A_34 : i32
      %dma_start3A = arith.constant 0 : i32
      %dma_start3A_36 = tpu.memref_slice %arg6[%add3A_35, %dma_start3A] : memref<97x128xi32, #tpu.memory_space<vmem>> -> memref<1x128xi32, #tpu.memory_space<vmem>>
      %dma_start3A_37 = tpu.memref_squeeze %dma_start3A_36 : memref<1x128xi32, #tpu.memory_space<vmem>> -> memref<128xi32, #tpu.memory_space<vmem>>
      %dma_start3A_38 = arith.constant 0 : i32
      %dma_start3A_39 = arith.constant 0 : i32
      %dma_start3A_40 = tpu.memref_slice %arg2[%arg0, %dma_start3A_38, %dma_start3A_39] : memref<2x10000x128xf32, #tpu.memory_space<hbm>> -> memref<1x10000x128xf32, #tpu.memory_space<hbm>>
      %dma_start3A_41 = tpu.memref_squeeze %dma_start3A_40 : memref<1x10000x128xf32, #tpu.memory_space<hbm>> -> memref<10000x128xf32, #tpu.memory_space<hbm>>
      %dma_start3A_42 = arith.constant 0 : i32
      %dma_start3A_43 = arith.constant 0 : i32
      %dma_start3A_44 = tpu.memref_slice %dma_start3A_41[%dma_start3A_42, %dma_start3A_43] : memref<10000x128xf32, #tpu.memory_space<hbm>> -> memref<10000x128xf32, #tpu.memory_space<hbm>>
      tpu.enqueue_indirect_dma source(%dma_start3A_44 : memref<10000x128xf32, #tpu.memory_space<hbm>>) target(%arg8 : memref<128x128xf32, #tpu.memory_space<vmem>>) offsets(%dma_start3A_37 : memref<128xi32, #tpu.memory_space<vmem>>) semaphore(%arg11 : memref<!tpu.dma_semaphore, #tpu.memory_space<semaphore_mem>>)
      %dma_wait3A = arith.constant 0 : i32
      %dma_wait3A_45 = tpu.memref_slice %arg6[%add3A_35, %dma_wait3A] : memref<97x128xi32, #tpu.memory_space<vmem>> -> memref<1x128xi32, #tpu.memory_space<vmem>>
      %dma_wait3A_46 = tpu.memref_squeeze %dma_wait3A_45 : memref<1x128xi32, #tpu.memory_space<vmem>> -> memref<128xi32, #tpu.memory_space<vmem>>
      %dma_wait3A_47 = arith.constant 0 : i32
      %dma_wait3A_48 = arith.constant 0 : i32
      %dma_wait3A_49 = tpu.memref_slice %arg2[%arg0, %dma_wait3A_47, %dma_wait3A_48] : memref<2x10000x128xf32, #tpu.memory_space<hbm>> -> memref<1x10000x128xf32, #tpu.memory_space<hbm>>
      %dma_wait3A_50 = tpu.memref_squeeze %dma_wait3A_49 : memref<1x10000x128xf32, #tpu.memory_space<hbm>> -> memref<10000x128xf32, #tpu.memory_space<hbm>>
      %dma_wait3A_51 = arith.constant 0 : i32
      %dma_wait3A_52 = arith.constant 0 : i32
      %dma_wait3A_53 = tpu.memref_slice %dma_wait3A_50[%dma_wait3A_51, %dma_wait3A_52] : memref<10000x128xf32, #tpu.memory_space<hbm>> -> memref<10000x128xf32, #tpu.memory_space<hbm>>
      tpu.wait_indirect_dma semaphore(%arg11 : memref<!tpu.dma_semaphore, #tpu.memory_space<semaphore_mem>>) src(%dma_wait3A_53 : memref<10000x128xf32, #tpu.memory_space<hbm>>) dst(%arg8 : memref<128x128xf32, #tpu.memory_space<vmem>>)
      "tpu.region"() ({
        %run_scoped3A = tpu.sem_alloc : memref<!tpu.dma_semaphore, #tpu.memory_space<semaphore_mem>>
        %dma_start3A_54 = arith.constant 0 : i32
        %dma_start3A_55 = tpu.memref_slice %arg7[%add3A_35, %dma_start3A_54] : memref<97x128xi32, #tpu.memory_space<vmem>> -> memref<1x128xi32, #tpu.memory_space<vmem>>
        %dma_start3A_56 = tpu.memref_squeeze %dma_start3A_55 : memref<1x128xi32, #tpu.memory_space<vmem>> -> memref<128xi32, #tpu.memory_space<vmem>>
        %dma_start3A_57 = arith.constant 0 : i32
        %dma_start3A_58 = arith.constant 0 : i32
        %dma_start3A_59 = tpu.memref_slice %arg10[%dma_start3A_57, %dma_start3A_58] : memref<10112x128xf32, #tpu.memory_space<vmem_shared>> -> memref<10112x128xf32, #tpu.memory_space<vmem_shared>>
        tpu.enqueue_indirect_dma source(%arg8 : memref<128x128xf32, #tpu.memory_space<vmem>>) target(%dma_start3A_59 : memref<10112x128xf32, #tpu.memory_space<vmem_shared>>) offsets(%dma_start3A_56 : memref<128xi32, #tpu.memory_space<vmem>>) semaphore(%run_scoped3A : memref<!tpu.dma_semaphore, #tpu.memory_space<semaphore_mem>>) {add = true}
        %dma_wait3A_60 = arith.constant 0 : i32
        %dma_wait3A_61 = tpu.memref_slice %arg7[%add3A_35, %dma_wait3A_60] : memref<97x128xi32, #tpu.memory_space<vmem>> -> memref<1x128xi32, #tpu.memory_space<vmem>>
        %dma_wait3A_62 = tpu.memref_squeeze %dma_wait3A_61 : memref<1x128xi32, #tpu.memory_space<vmem>> -> memref<128xi32, #tpu.memory_space<vmem>>
        %dma_wait3A_63 = arith.constant 0 : i32
        %dma_wait3A_64 = arith.constant 0 : i32
        %dma_wait3A_65 = tpu.memref_slice %arg10[%dma_wait3A_63, %dma_wait3A_64] : memref<10112x128xf32, #tpu.memory_space<vmem_shared>> -> memref<10112x128xf32, #tpu.memory_space<vmem_shared>>
        tpu.wait_indirect_dma semaphore(%run_scoped3A : memref<!tpu.dma_semaphore, #tpu.memory_space<semaphore_mem>>) src(%arg8 : memref<128x128xf32, #tpu.memory_space<vmem>>) dst(%dma_wait3A_65 : memref<10112x128xf32, #tpu.memory_space<vmem_shared>>)
        tpu.yield
      }) : () -> ()
    }
    %while3A_27 = arith.constant 1 : i32
    scf.for %while3A_33 = %while3A_25 to %while3A_21 step %while3A_27  : i32 {
      %mul3A_34 = arith.muli %while3A_33, %while3A : i32
      %add3A_35 = arith.addi %while3A_18, %mul3A_34 : i32
      %dma_start3A = arith.constant 0 : i32
      %dma_start3A_36 = tpu.memref_slice %arg6[%add3A_35, %dma_start3A] : memref<97x128xi32, #tpu.memory_space<vmem>> -> memref<1x128xi32, #tpu.memory_space<vmem>>
      %dma_start3A_37 = tpu.memref_squeeze %dma_start3A_36 : memref<1x128xi32, #tpu.memory_space<vmem>> -> memref<128xi32, #tpu.memory_space<vmem>>
      %dma_start3A_38 = arith.constant 0 : i32
      %dma_start3A_39 = arith.constant 0 : i32
      %dma_start3A_40 = tpu.memref_slice %arg2[%arg0, %dma_start3A_38, %dma_start3A_39] : memref<2x10000x128xf32, #tpu.memory_space<hbm>> -> memref<1x10000x128xf32, #tpu.memory_space<hbm>>
      %dma_start3A_41 = tpu.memref_squeeze %dma_start3A_40 : memref<1x10000x128xf32, #tpu.memory_space<hbm>> -> memref<10000x128xf32, #tpu.memory_space<hbm>>
      %dma_start3A_42 = arith.constant 0 : i32
      %dma_start3A_43 = arith.constant 0 : i32
      %dma_start3A_44 = tpu.memref_slice %dma_start3A_41[%dma_start3A_42, %dma_start3A_43] : memref<10000x128xf32, #tpu.memory_space<hbm>> -> memref<10000x128xf32, #tpu.memory_space<hbm>>
      tpu.enqueue_indirect_dma source(%dma_start3A_44 : memref<10000x128xf32, #tpu.memory_space<hbm>>) target(%arg8 : memref<128x128xf32, #tpu.memory_space<vmem>>) offsets(%dma_start3A_37 : memref<128xi32, #tpu.memory_space<vmem>>) semaphore(%arg11 : memref<!tpu.dma_semaphore, #tpu.memory_space<semaphore_mem>>)
      %dma_wait3A = arith.constant 0 : i32
      %dma_wait3A_45 = tpu.memref_slice %arg6[%add3A_35, %dma_wait3A] : memref<97x128xi32, #tpu.memory_space<vmem>> -> memref<1x128xi32, #tpu.memory_space<vmem>>
      %dma_wait3A_46 = tpu.memref_squeeze %dma_wait3A_45 : memref<1x128xi32, #tpu.memory_space<vmem>> -> memref<128xi32, #tpu.memory_space<vmem>>
      %dma_wait3A_47 = arith.constant 0 : i32
      %dma_wait3A_48 = arith.constant 0 : i32
      %dma_wait3A_49 = tpu.memref_slice %arg2[%arg0, %dma_wait3A_47, %dma_wait3A_48] : memref<2x10000x128xf32, #tpu.memory_space<hbm>> -> memref<1x10000x128xf32, #tpu.memory_space<hbm>>
      %dma_wait3A_50 = tpu.memref_squeeze %dma_wait3A_49 : memref<1x10000x128xf32, #tpu.memory_space<hbm>> -> memref<10000x128xf32, #tpu.memory_space<hbm>>
      %dma_wait3A_51 = arith.constant 0 : i32
      %dma_wait3A_52 = arith.constant 0 : i32
      %dma_wait3A_53 = tpu.memref_slice %dma_wait3A_50[%dma_wait3A_51, %dma_wait3A_52] : memref<10000x128xf32, #tpu.memory_space<hbm>> -> memref<10000x128xf32, #tpu.memory_space<hbm>>
      tpu.wait_indirect_dma semaphore(%arg11 : memref<!tpu.dma_semaphore, #tpu.memory_space<semaphore_mem>>) src(%dma_wait3A_53 : memref<10000x128xf32, #tpu.memory_space<hbm>>) dst(%arg8 : memref<128x128xf32, #tpu.memory_space<vmem>>)
      "tpu.region"() ({
        %run_scoped3A = tpu.sem_alloc : memref<!tpu.dma_semaphore, #tpu.memory_space<semaphore_mem>>
        %dma_start3A_54 = arith.constant 0 : i32
        %dma_start3A_55 = tpu.memref_slice %arg7[%add3A_35, %dma_start3A_54] : memref<97x128xi32, #tpu.memory_space<vmem>> -> memref<1x128xi32, #tpu.memory_space<vmem>>
        %dma_start3A_56 = tpu.memref_squeeze %dma_start3A_55 : memref<1x128xi32, #tpu.memory_space<vmem>> -> memref<128xi32, #tpu.memory_space<vmem>>
        %dma_start3A_57 = arith.constant 0 : i32
        %dma_start3A_58 = arith.constant 0 : i32
        %dma_start3A_59 = tpu.memref_slice %arg10[%dma_start3A_57, %dma_start3A_58] : memref<10112x128xf32, #tpu.memory_space<vmem_shared>> -> memref<10112x128xf32, #tpu.memory_space<vmem_shared>>
        tpu.enqueue_indirect_dma source(%arg8 : memref<128x128xf32, #tpu.memory_space<vmem>>) target(%dma_start3A_59 : memref<10112x128xf32, #tpu.memory_space<vmem_shared>>) offsets(%dma_start3A_56 : memref<128xi32, #tpu.memory_space<vmem>>) semaphore(%run_scoped3A : memref<!tpu.dma_semaphore, #tpu.memory_space<semaphore_mem>>) {add = true}
        %dma_wait3A_60 = arith.constant 0 : i32
        %dma_wait3A_61 = tpu.memref_slice %arg7[%add3A_35, %dma_wait3A_60] : memref<97x128xi32, #tpu.memory_space<vmem>> -> memref<1x128xi32, #tpu.memory_space<vmem>>
        %dma_wait3A_62 = tpu.memref_squeeze %dma_wait3A_61 : memref<1x128xi32, #tpu.memory_space<vmem>> -> memref<128xi32, #tpu.memory_space<vmem>>
        %dma_wait3A_63 = arith.constant 0 : i32
        %dma_wait3A_64 = arith.constant 0 : i32
        %dma_wait3A_65 = tpu.memref_slice %arg10[%dma_wait3A_63, %dma_wait3A_64] : memref<10112x128xf32, #tpu.memory_space<vmem_shared>> -> memref<10112x128xf32, #tpu.memory_space<vmem_shared>>
        tpu.wait_indirect_dma semaphore(%run_scoped3A : memref<!tpu.dma_semaphore, #tpu.memory_space<semaphore_mem>>) src(%arg8 : memref<128x128xf32, #tpu.memory_space<vmem>>) dst(%dma_wait3A_65 : memref<10112x128xf32, #tpu.memory_space<vmem_shared>>)
        tpu.yield
      }) : () -> ()
    }
    %barrier3A_28 = arith.constant 0 : index
    tpu.barrier barrier_id(%barrier3A_28)
    %mul3A_29 = arith.constant 632 : i32
    %mul3A_30 = arith.muli %arg1, %mul3A_29 : i32
    %mul3A_31 = arith.constant 632 : i32
    %mul3A_32 = arith.muli %arg1, %mul3A_31 : i32
    "tpu.region"() ({
      %run_scoped3A = tpu.sem_alloc : memref<!tpu.dma_semaphore, #tpu.memory_space<semaphore_mem>>
      %dma_start3A = arith.constant 0 : i32
      %dma_start3A_33 = tpu.memref_slice %arg5[%arg0, %mul3A_32, %dma_start3A] : memref<2x10112x128xf32, #tpu.memory_space<hbm>> -> memref<1x632x128xf32, #tpu.memory_space<hbm>>
      %dma_start3A_34 = tpu.memref_squeeze %dma_start3A_33 : memref<1x632x128xf32, #tpu.memory_space<hbm>> -> memref<632x128xf32, #tpu.memory_space<hbm>>
      %dma_start3A_35 = arith.constant 0 : i32
      %dma_start3A_36 = tpu.memref_slice %arg10[%mul3A_30, %dma_start3A_35] : memref<10112x128xf32, #tpu.memory_space<vmem_shared>> -> memref<632x128xf32, #tpu.memory_space<vmem_shared>>
      tpu.enqueue_dma source(%dma_start3A_36 : memref<632x128xf32, #tpu.memory_space<vmem_shared>>) target(%dma_start3A_34 : memref<632x128xf32, #tpu.memory_space<hbm>>) target_semaphore(%run_scoped3A : memref<!tpu.dma_semaphore, #tpu.memory_space<semaphore_mem>>)
      %dma_wait3A = arith.constant 0 : i32
      %dma_wait3A_37 = tpu.memref_slice %arg5[%arg0, %mul3A_32, %dma_wait3A] : memref<2x10112x128xf32, #tpu.memory_space<hbm>> -> memref<1x632x128xf32, #tpu.memory_space<hbm>>
      %dma_wait3A_38 = tpu.memref_squeeze %dma_wait3A_37 : memref<1x632x128xf32, #tpu.memory_space<hbm>> -> memref<632x128xf32, #tpu.memory_space<hbm>>
      %dma_wait3A_39 = arith.constant 0 : i32
      %dma_wait3A_40 = tpu.memref_slice %arg10[%mul3A_30, %dma_wait3A_39] : memref<10112x128xf32, #tpu.memory_space<vmem_shared>> -> memref<632x128xf32, #tpu.memory_space<vmem_shared>>
      tpu.wait_dma2 semaphore(%run_scoped3A : memref<!tpu.dma_semaphore, #tpu.memory_space<semaphore_mem>>) src(%dma_wait3A_40 : memref<632x128xf32, #tpu.memory_space<vmem_shared>>) dst(%dma_wait3A_38 : memref<632x128xf32, #tpu.memory_space<hbm>>)
      tpu.yield
    }) : () -> ()
    return
  }
}

#map = affine_map<(d0, d1) -> (0, 0, 0)>
module attributes {stable_mosaic.version = 14 : i64} {
  func.func @agg_kernel(%arg0: i32, %arg1: i32, %arg2: memref<2x10000x128xf32, #tpu.memory_space<hbm>>, %arg3: memref<32x97x128xi32, #tpu.memory_space<hbm>>, %arg4: memref<32x97x128xi32, #tpu.memory_space<hbm>>, %arg5: memref<2x10112x128xf32, #tpu.memory_space<hbm>>, %arg6: memref<97x128xi32, #tpu.memory_space<vmem>>, %arg7: memref<97x128xi32, #tpu.memory_space<vmem>>, %arg8: memref<128x128xf32, #tpu.memory_space<vmem>>, %arg9: memref<8x128xf32, #tpu.memory_space<vmem>>, %arg10: memref<10112x128xf32, #tpu.memory_space<vmem_shared>>, %arg11: memref<!tpu.dma_semaphore, #tpu.memory_space<semaphore_mem>>) attributes {dimension_semantics = [#tpu.dimension_semantics<core_parallel>, #tpu.dimension_semantics<subcore_parallel>], iteration_bounds = array<i64: 2, 16>, scalar_prefetch = 0 : i64, scratch_operands = 6 : i64, tpu.core_type = #tpu.core_type<sc_vector_subcore>, window_params = [{transform_indices = #map}, {transform_indices = #map}, {transform_indices = #map}, {transform_indices = #map}]} {
    %mul3A = arith.constant 16 : i32
    %mul3A_0 = arith.muli %arg0, %mul3A : i32
    %add3A = arith.addi %mul3A_0, %arg1 : i32
    "tpu.region"() ({
      %run_scoped3A = tpu.sem_alloc : memref<!tpu.dma_semaphore, #tpu.memory_space<semaphore_mem>>
      %dma_start3A = arith.constant 0 : i32
      %dma_start3A_33 = arith.constant 0 : i32
      %dma_start3A_34 = tpu.memref_slice %arg3[%add3A, %dma_start3A, %dma_start3A_33] : memref<32x97x128xi32, #tpu.memory_space<hbm>> -> memref<1x97x128xi32, #tpu.memory_space<hbm>>
      %dma_start3A_35 = tpu.memref_squeeze %dma_start3A_34 : memref<1x97x128xi32, #tpu.memory_space<hbm>> -> memref<97x128xi32, #tpu.memory_space<hbm>>
      %dma_start3A_36 = arith.constant 0 : i32
      %dma_start3A_37 = arith.constant 0 : i32
      %dma_start3A_38 = tpu.memref_slice %arg3[%add3A, %dma_start3A_36, %dma_start3A_37] : memref<32x97x128xi32, #tpu.memory_space<hbm>> -> memref<1x97x128xi32, #tpu.memory_space<hbm>>
      %dma_start3A_39 = tpu.memref_squeeze %dma_start3A_38 : memref<1x97x128xi32, #tpu.memory_space<hbm>> -> memref<97x128xi32, #tpu.memory_space<hbm>>
      tpu.enqueue_dma source(%dma_start3A_39 : memref<97x128xi32, #tpu.memory_space<hbm>>) target(%arg6 : memref<97x128xi32, #tpu.memory_space<vmem>>) target_semaphore(%run_scoped3A : memref<!tpu.dma_semaphore, #tpu.memory_space<semaphore_mem>>)
      %dma_wait3A = arith.constant 0 : i32
      %dma_wait3A_40 = arith.constant 0 : i32
      %dma_wait3A_41 = tpu.memref_slice %arg3[%add3A, %dma_wait3A, %dma_wait3A_40] : memref<32x97x128xi32, #tpu.memory_space<hbm>> -> memref<1x97x128xi32, #tpu.memory_space<hbm>>
      %dma_wait3A_42 = tpu.memref_squeeze %dma_wait3A_41 : memref<1x97x128xi32, #tpu.memory_space<hbm>> -> memref<97x128xi32, #tpu.memory_space<hbm>>
      %dma_wait3A_43 = arith.constant 0 : i32
      %dma_wait3A_44 = arith.constant 0 : i32
      %dma_wait3A_45 = tpu.memref_slice %arg3[%add3A, %dma_wait3A_43, %dma_wait3A_44] : memref<32x97x128xi32, #tpu.memory_space<hbm>> -> memref<1x97x128xi32, #tpu.memory_space<hbm>>
      %dma_wait3A_46 = tpu.memref_squeeze %dma_wait3A_45 : memref<1x97x128xi32, #tpu.memory_space<hbm>> -> memref<97x128xi32, #tpu.memory_space<hbm>>
      tpu.wait_dma2 semaphore(%run_scoped3A : memref<!tpu.dma_semaphore, #tpu.memory_space<semaphore_mem>>) src(%dma_wait3A_46 : memref<97x128xi32, #tpu.memory_space<hbm>>) dst(%arg6 : memref<97x128xi32, #tpu.memory_space<vmem>>)
      tpu.yield
    }) : () -> ()
    "tpu.region"() ({
      %run_scoped3A = tpu.sem_alloc : memref<!tpu.dma_semaphore, #tpu.memory_space<semaphore_mem>>
      %dma_start3A = arith.constant 0 : i32
      %dma_start3A_33 = arith.constant 0 : i32
      %dma_start3A_34 = tpu.memref_slice %arg4[%add3A, %dma_start3A, %dma_start3A_33] : memref<32x97x128xi32, #tpu.memory_space<hbm>> -> memref<1x97x128xi32, #tpu.memory_space<hbm>>
      %dma_start3A_35 = tpu.memref_squeeze %dma_start3A_34 : memref<1x97x128xi32, #tpu.memory_space<hbm>> -> memref<97x128xi32, #tpu.memory_space<hbm>>
      %dma_start3A_36 = arith.constant 0 : i32
      %dma_start3A_37 = arith.constant 0 : i32
      %dma_start3A_38 = tpu.memref_slice %arg4[%add3A, %dma_start3A_36, %dma_start3A_37] : memref<32x97x128xi32, #tpu.memory_space<hbm>> -> memref<1x97x128xi32, #tpu.memory_space<hbm>>
      %dma_start3A_39 = tpu.memref_squeeze %dma_start3A_38 : memref<1x97x128xi32, #tpu.memory_space<hbm>> -> memref<97x128xi32, #tpu.memory_space<hbm>>
      tpu.enqueue_dma source(%dma_start3A_39 : memref<97x128xi32, #tpu.memory_space<hbm>>) target(%arg7 : memref<97x128xi32, #tpu.memory_space<vmem>>) target_semaphore(%run_scoped3A : memref<!tpu.dma_semaphore, #tpu.memory_space<semaphore_mem>>)
      %dma_wait3A = arith.constant 0 : i32
      %dma_wait3A_40 = arith.constant 0 : i32
      %dma_wait3A_41 = tpu.memref_slice %arg4[%add3A, %dma_wait3A, %dma_wait3A_40] : memref<32x97x128xi32, #tpu.memory_space<hbm>> -> memref<1x97x128xi32, #tpu.memory_space<hbm>>
      %dma_wait3A_42 = tpu.memref_squeeze %dma_wait3A_41 : memref<1x97x128xi32, #tpu.memory_space<hbm>> -> memref<97x128xi32, #tpu.memory_space<hbm>>
      %dma_wait3A_43 = arith.constant 0 : i32
      %dma_wait3A_44 = arith.constant 0 : i32
      %dma_wait3A_45 = tpu.memref_slice %arg4[%add3A, %dma_wait3A_43, %dma_wait3A_44] : memref<32x97x128xi32, #tpu.memory_space<hbm>> -> memref<1x97x128xi32, #tpu.memory_space<hbm>>
      %dma_wait3A_46 = tpu.memref_squeeze %dma_wait3A_45 : memref<1x97x128xi32, #tpu.memory_space<hbm>> -> memref<97x128xi32, #tpu.memory_space<hbm>>
      tpu.wait_dma2 semaphore(%run_scoped3A : memref<!tpu.dma_semaphore, #tpu.memory_space<semaphore_mem>>) src(%dma_wait3A_46 : memref<97x128xi32, #tpu.memory_space<hbm>>) dst(%arg7 : memref<97x128xi32, #tpu.memory_space<vmem>>)
      tpu.yield
    }) : () -> ()
    %scan3A = arith.constant 0 : i32
    %scan3A_1 = arith.constant 8 : i32
    %scan3A_2 = arith.addi %scan3A, %scan3A_1 : i32
    %scan3A_3 = arith.constant 1 : i32
    scf.for %scan3A_33 = %scan3A to %scan3A_2 step %scan3A_3  : i32 {
      %mul3A_34 = arith.constant 1 : i32
      %mul3A_35 = arith.muli %scan3A_33, %mul3A_34 : i32
      %add3A_36 = arith.constant 0 : i32
      %add3A_37 = arith.addi %add3A_36, %mul3A_35 : i32
      %scan3A_38 = arith.constant 0 : i32
      %scan3A_39 = arith.constant 8 : i32
      %scan3A_40 = arith.addi %scan3A_38, %scan3A_39 : i32
      %scan3A_41 = arith.constant 1 : i32
      scf.for %scan3A_43 = %scan3A_38 to %scan3A_40 step %scan3A_41  : i32 {
        %mul3A_44 = arith.constant 1 : i32
        %mul3A_45 = arith.muli %scan3A_43, %mul3A_44 : i32
        %add3A_46 = arith.constant 0 : i32
        %add3A_47 = arith.addi %add3A_46, %mul3A_45 : i32
        %broadcast_in_dim3A = arith.constant 0.000000e+00 : f32
        %broadcast_in_dim3A_48 = vector.broadcast %broadcast_in_dim3A : f32 to vector<16xf32>
        %mul3A_49 = arith.constant 16 : i32
        %mul3A_50 = arith.muli %add3A_47, %mul3A_49 : i32
        %swap3A = arith.index_cast %add3A_37 : i32 to index
        %swap3A_51 = arith.index_cast %mul3A_50 : i32 to index
        %swap3A_52 = tpu.vector_load %arg9[%swap3A, %swap3A_51] {strides = array<i32>} : memref<8x128xf32, #tpu.memory_space<vmem>>, vector<1x16xf32>,
        %swap3A_53 = vector.shape_cast %swap3A_52 : vector<1x16xf32> to vector<16xf32>
        %swap3A_54 = vector.shape_cast %broadcast_in_dim3A_48 : vector<16xf32> to vector<1x16xf32>
        tpu.vector_store %arg9[%swap3A, %swap3A_51], %swap3A_54 {strides = array<i32>} : memref<8x128xf32, #tpu.memory_space<vmem>>, vector<1x16xf32>,
      }
      %scan3A_42 = arith.constant 8 : i32
    }
    %scan3A_4 = arith.constant 8 : i32
    %scan3A_5 = arith.constant 0 : i32
    %scan3A_6 = arith.constant 79 : i32
    %scan3A_7 = arith.addi %scan3A_5, %scan3A_6 : i32
    %scan3A_8 = arith.constant 1 : i32
    scf.for %scan3A_33 = %scan3A_5 to %scan3A_7 step %scan3A_8  : i32 {
      %mul3A_34 = arith.constant 1 : i32
      %mul3A_35 = arith.muli %scan3A_33, %mul3A_34 : i32
      %add3A_36 = arith.constant 0 : i32
      %add3A_37 = arith.addi %add3A_36, %mul3A_35 : i32
      %mul3A_38 = arith.constant 632 : i32
      %mul3A_39 = arith.muli %arg1, %mul3A_38 : i32
      %mul3A_40 = arith.constant 8 : i32
      %mul3A_41 = arith.muli %add3A_37, %mul3A_40 : i32
      %add3A_42 = arith.addi %mul3A_39, %mul3A_41 : i32
      "tpu.region"() ({
        %run_scoped3A = tpu.sem_alloc : memref<!tpu.dma_semaphore, #tpu.memory_space<semaphore_mem>>
        %dma_start3A = arith.constant 0 : i32
        %dma_start3A_43 = tpu.memref_slice %arg10[%add3A_42, %dma_start3A] : memref<10112x128xf32, #tpu.memory_space<vmem_shared>> -> memref<8x128xf32, #tpu.memory_space<vmem_shared>>
        %dma_start3A_44 = arith.constant 0 : i32
        %dma_start3A_45 = tpu.memref_slice %arg10[%add3A_42, %dma_start3A_44] : memref<10112x128xf32, #tpu.memory_space<vmem_shared>> -> memref<8x128xf32, #tpu.memory_space<vmem_shared>>
        tpu.enqueue_dma source(%arg9 : memref<8x128xf32, #tpu.memory_space<vmem>>) target(%dma_start3A_45 : memref<8x128xf32, #tpu.memory_space<vmem_shared>>) target_semaphore(%run_scoped3A : memref<!tpu.dma_semaphore, #tpu.memory_space<semaphore_mem>>)
        %dma_wait3A = arith.constant 0 : i32
        %dma_wait3A_46 = tpu.memref_slice %arg10[%add3A_42, %dma_wait3A] : memref<10112x128xf32, #tpu.memory_space<vmem_shared>> -> memref<8x128xf32, #tpu.memory_space<vmem_shared>>
        %dma_wait3A_47 = arith.constant 0 : i32
        %dma_wait3A_48 = tpu.memref_slice %arg10[%add3A_42, %dma_wait3A_47] : memref<10112x128xf32, #tpu.memory_space<vmem_shared>> -> memref<8x128xf32, #tpu.memory_space<vmem_shared>>
        tpu.wait_dma2 semaphore(%run_scoped3A : memref<!tpu.dma_semaphore, #tpu.memory_space<semaphore_mem>>) src(%arg9 : memref<8x128xf32, #tpu.memory_space<vmem>>) dst(%dma_wait3A_48 : memref<8x128xf32, #tpu.memory_space<vmem_shared>>)
        tpu.yield
      }) : () -> ()
    }
    %scan3A_9 = arith.constant 79 : i32
    %barrier3A = arith.constant 0 : index
    tpu.barrier barrier_id(%barrier3A)
    %eq3A = arith.constant 0 : i32
    %eq3A_10 = arith.cmpi eq, %arg0, %eq3A : i32
    %jit3A = arith.constant 97 : i32
    %jit3A_11 = arith.constant 60 : i32
    %select_n3A = arith.select %eq3A_10, %jit3A, %jit3A_11 : i32
    %sub3A = arith.constant 0 : i32
    %sub3A_12 = arith.subi %select_n3A, %sub3A : i32
    %sub3A_13 = arith.constant 1 : i32
    %sub3A_14 = arith.constant 1 : i32
    %sub3A_15 = arith.subi %sub3A_13, %sub3A_14 : i32
    %add3A_16 = arith.addi %sub3A_12, %sub3A_15 : i32
    %div3A = arith.constant 1 : i32
    %div3A_17 = arith.divsi %add3A_16, %div3A : i32
    %while3A = arith.constant 1 : i32
    %while3A_18 = arith.constant 0 : i32
    %while3A_19 = arith.constant 0 : i32
    %while3A_20 = arith.subi %div3A_17, %while3A_19 : i32
    %while3A_21 = arith.addi %while3A_19, %while3A_20 : i32
    %while3A_22 = arith.constant 1 : i32
    %while3A_23 = arith.divsi %while3A_20, %while3A_22 : i32
    %while3A_24 = arith.muli %while3A_23, %while3A_22 : i32
    %while3A_25 = arith.addi %while3A_19, %while3A_24 : i32
    %while3A_26 = arith.constant 1 : i32
    scf.for %while3A_33 = %while3A_19 to %while3A_25 step %while3A_26  : i32 {
      %mul3A_34 = arith.muli %while3A_33, %while3A : i32
      %add3A_35 = arith.addi %while3A_18, %mul3A_34 : i32
      %dma_start3A = arith.constant 0 : i32
      %dma_start3A_36 = tpu.memref_slice %arg6[%add3A_35, %dma_start3A] : memref<97x128xi32, #tpu.memory_space<vmem>> -> memref<1x128xi32, #tpu.memory_space<vmem>>
      %dma_start3A_37 = tpu.memref_squeeze %dma_start3A_36 : memref<1x128xi32, #tpu.memory_space<vmem>> -> memref<128xi32, #tpu.memory_space<vmem>>
      %dma_start3A_38 = arith.constant 0 : i32
      %dma_start3A_39 = arith.constant 0 : i32
      %dma_start3A_40 = tpu.memref_slice %arg2[%arg0, %dma_start3A_38, %dma_start3A_39] : memref<2x10000x128xf32, #tpu.memory_space<hbm>> -> memref<1x10000x128xf32, #tpu.memory_space<hbm>>
      %dma_start3A_41 = tpu.memref_squeeze %dma_start3A_40 : memref<1x10000x128xf32, #tpu.memory_space<hbm>> -> memref<10000x128xf32, #tpu.memory_space<hbm>>
      %dma_start3A_42 = arith.constant 0 : i32
      %dma_start3A_43 = arith.constant 0 : i32
      %dma_start3A_44 = tpu.memref_slice %dma_start3A_41[%dma_start3A_42, %dma_start3A_43] : memref<10000x128xf32, #tpu.memory_space<hbm>> -> memref<10000x128xf32, #tpu.memory_space<hbm>>
      tpu.enqueue_indirect_dma source(%dma_start3A_44 : memref<10000x128xf32, #tpu.memory_space<hbm>>) target(%arg8 : memref<128x128xf32, #tpu.memory_space<vmem>>) offsets(%dma_start3A_37 : memref<128xi32, #tpu.memory_space<vmem>>) semaphore(%arg11 : memref<!tpu.dma_semaphore, #tpu.memory_space<semaphore_mem>>)
      %dma_wait3A = arith.constant 0 : i32
      %dma_wait3A_45 = tpu.memref_slice %arg6[%add3A_35, %dma_wait3A] : memref<97x128xi32, #tpu.memory_space<vmem>> -> memref<1x128xi32, #tpu.memory_space<vmem>>
      %dma_wait3A_46 = tpu.memref_squeeze %dma_wait3A_45 : memref<1x128xi32, #tpu.memory_space<vmem>> -> memref<128xi32, #tpu.memory_space<vmem>>
      %dma_wait3A_47 = arith.constant 0 : i32
      %dma_wait3A_48 = arith.constant 0 : i32
      %dma_wait3A_49 = tpu.memref_slice %arg2[%arg0, %dma_wait3A_47, %dma_wait3A_48] : memref<2x10000x128xf32, #tpu.memory_space<hbm>> -> memref<1x10000x128xf32, #tpu.memory_space<hbm>>
      %dma_wait3A_50 = tpu.memref_squeeze %dma_wait3A_49 : memref<1x10000x128xf32, #tpu.memory_space<hbm>> -> memref<10000x128xf32, #tpu.memory_space<hbm>>
      %dma_wait3A_51 = arith.constant 0 : i32
      %dma_wait3A_52 = arith.constant 0 : i32
      %dma_wait3A_53 = tpu.memref_slice %dma_wait3A_50[%dma_wait3A_51, %dma_wait3A_52] : memref<10000x128xf32, #tpu.memory_space<hbm>> -> memref<10000x128xf32, #tpu.memory_space<hbm>>
      tpu.wait_indirect_dma semaphore(%arg11 : memref<!tpu.dma_semaphore, #tpu.memory_space<semaphore_mem>>) src(%dma_wait3A_53 : memref<10000x128xf32, #tpu.memory_space<hbm>>) dst(%arg8 : memref<128x128xf32, #tpu.memory_space<vmem>>)
      "tpu.region"() ({
        %run_scoped3A = tpu.sem_alloc : memref<!tpu.dma_semaphore, #tpu.memory_space<semaphore_mem>>
        %dma_start3A_54 = arith.constant 0 : i32
        %dma_start3A_55 = tpu.memref_slice %arg7[%add3A_35, %dma_start3A_54] : memref<97x128xi32, #tpu.memory_space<vmem>> -> memref<1x128xi32, #tpu.memory_space<vmem>>
        %dma_start3A_56 = tpu.memref_squeeze %dma_start3A_55 : memref<1x128xi32, #tpu.memory_space<vmem>> -> memref<128xi32, #tpu.memory_space<vmem>>
        %dma_start3A_57 = arith.constant 0 : i32
        %dma_start3A_58 = arith.constant 0 : i32
        %dma_start3A_59 = tpu.memref_slice %arg10[%dma_start3A_57, %dma_start3A_58] : memref<10112x128xf32, #tpu.memory_space<vmem_shared>> -> memref<10112x128xf32, #tpu.memory_space<vmem_shared>>
        tpu.enqueue_indirect_dma source(%arg8 : memref<128x128xf32, #tpu.memory_space<vmem>>) target(%dma_start3A_59 : memref<10112x128xf32, #tpu.memory_space<vmem_shared>>) offsets(%dma_start3A_56 : memref<128xi32, #tpu.memory_space<vmem>>) semaphore(%run_scoped3A : memref<!tpu.dma_semaphore, #tpu.memory_space<semaphore_mem>>) {add = true}
        %dma_wait3A_60 = arith.constant 0 : i32
        %dma_wait3A_61 = tpu.memref_slice %arg7[%add3A_35, %dma_wait3A_60] : memref<97x128xi32, #tpu.memory_space<vmem>> -> memref<1x128xi32, #tpu.memory_space<vmem>>
        %dma_wait3A_62 = tpu.memref_squeeze %dma_wait3A_61 : memref<1x128xi32, #tpu.memory_space<vmem>> -> memref<128xi32, #tpu.memory_space<vmem>>
        %dma_wait3A_63 = arith.constant 0 : i32
        %dma_wait3A_64 = arith.constant 0 : i32
        %dma_wait3A_65 = tpu.memref_slice %arg10[%dma_wait3A_63, %dma_wait3A_64] : memref<10112x128xf32, #tpu.memory_space<vmem_shared>> -> memref<10112x128xf32, #tpu.memory_space<vmem_shared>>
        tpu.wait_indirect_dma semaphore(%run_scoped3A : memref<!tpu.dma_semaphore, #tpu.memory_space<semaphore_mem>>) src(%arg8 : memref<128x128xf32, #tpu.memory_space<vmem>>) dst(%dma_wait3A_65 : memref<10112x128xf32, #tpu.memory_space<vmem_shared>>)
        tpu.yield
      }) : () -> ()
    }
    %while3A_27 = arith.constant 1 : i32
    scf.for %while3A_33 = %while3A_25 to %while3A_21 step %while3A_27  : i32 {
      %mul3A_34 = arith.muli %while3A_33, %while3A : i32
      %add3A_35 = arith.addi %while3A_18, %mul3A_34 : i32
      %dma_start3A = arith.constant 0 : i32
      %dma_start3A_36 = tpu.memref_slice %arg6[%add3A_35, %dma_start3A] : memref<97x128xi32, #tpu.memory_space<vmem>> -> memref<1x128xi32, #tpu.memory_space<vmem>>
      %dma_start3A_37 = tpu.memref_squeeze %dma_start3A_36 : memref<1x128xi32, #tpu.memory_space<vmem>> -> memref<128xi32, #tpu.memory_space<vmem>>
      %dma_start3A_38 = arith.constant 0 : i32
      %dma_start3A_39 = arith.constant 0 : i32
      %dma_start3A_40 = tpu.memref_slice %arg2[%arg0, %dma_start3A_38, %dma_start3A_39] : memref<2x10000x128xf32, #tpu.memory_space<hbm>> -> memref<1x10000x128xf32, #tpu.memory_space<hbm>>
      %dma_start3A_41 = tpu.memref_squeeze %dma_start3A_40 : memref<1x10000x128xf32, #tpu.memory_space<hbm>> -> memref<10000x128xf32, #tpu.memory_space<hbm>>
      %dma_start3A_42 = arith.constant 0 : i32
      %dma_start3A_43 = arith.constant 0 : i32
      %dma_start3A_44 = tpu.memref_slice %dma_start3A_41[%dma_start3A_42, %dma_start3A_43] : memref<10000x128xf32, #tpu.memory_space<hbm>> -> memref<10000x128xf32, #tpu.memory_space<hbm>>
      tpu.enqueue_indirect_dma source(%dma_start3A_44 : memref<10000x128xf32, #tpu.memory_space<hbm>>) target(%arg8 : memref<128x128xf32, #tpu.memory_space<vmem>>) offsets(%dma_start3A_37 : memref<128xi32, #tpu.memory_space<vmem>>) semaphore(%arg11 : memref<!tpu.dma_semaphore, #tpu.memory_space<semaphore_mem>>)
      %dma_wait3A = arith.constant 0 : i32
      %dma_wait3A_45 = tpu.memref_slice %arg6[%add3A_35, %dma_wait3A] : memref<97x128xi32, #tpu.memory_space<vmem>> -> memref<1x128xi32, #tpu.memory_space<vmem>>
      %dma_wait3A_46 = tpu.memref_squeeze %dma_wait3A_45 : memref<1x128xi32, #tpu.memory_space<vmem>> -> memref<128xi32, #tpu.memory_space<vmem>>
      %dma_wait3A_47 = arith.constant 0 : i32
      %dma_wait3A_48 = arith.constant 0 : i32
      %dma_wait3A_49 = tpu.memref_slice %arg2[%arg0, %dma_wait3A_47, %dma_wait3A_48] : memref<2x10000x128xf32, #tpu.memory_space<hbm>> -> memref<1x10000x128xf32, #tpu.memory_space<hbm>>
      %dma_wait3A_50 = tpu.memref_squeeze %dma_wait3A_49 : memref<1x10000x128xf32, #tpu.memory_space<hbm>> -> memref<10000x128xf32, #tpu.memory_space<hbm>>
      %dma_wait3A_51 = arith.constant 0 : i32
      %dma_wait3A_52 = arith.constant 0 : i32
      %dma_wait3A_53 = tpu.memref_slice %dma_wait3A_50[%dma_wait3A_51, %dma_wait3A_52] : memref<10000x128xf32, #tpu.memory_space<hbm>> -> memref<10000x128xf32, #tpu.memory_space<hbm>>
      tpu.wait_indirect_dma semaphore(%arg11 : memref<!tpu.dma_semaphore, #tpu.memory_space<semaphore_mem>>) src(%dma_wait3A_53 : memref<10000x128xf32, #tpu.memory_space<hbm>>) dst(%arg8 : memref<128x128xf32, #tpu.memory_space<vmem>>)
      "tpu.region"() ({
        %run_scoped3A = tpu.sem_alloc : memref<!tpu.dma_semaphore, #tpu.memory_space<semaphore_mem>>
        %dma_start3A_54 = arith.constant 0 : i32
        %dma_start3A_55 = tpu.memref_slice %arg7[%add3A_35, %dma_start3A_54] : memref<97x128xi32, #tpu.memory_space<vmem>> -> memref<1x128xi32, #tpu.memory_space<vmem>>
        %dma_start3A_56 = tpu.memref_squeeze %dma_start3A_55 : memref<1x128xi32, #tpu.memory_space<vmem>> -> memref<128xi32, #tpu.memory_space<vmem>>
        %dma_start3A_57 = arith.constant 0 : i32
        %dma_start3A_58 = arith.constant 0 : i32
        %dma_start3A_59 = tpu.memref_slice %arg10[%dma_start3A_57, %dma_start3A_58] : memref<10112x128xf32, #tpu.memory_space<vmem_shared>> -> memref<10112x128xf32, #tpu.memory_space<vmem_shared>>
        tpu.enqueue_indirect_dma source(%arg8 : memref<128x128xf32, #tpu.memory_space<vmem>>) target(%dma_start3A_59 : memref<10112x128xf32, #tpu.memory_space<vmem_shared>>) offsets(%dma_start3A_56 : memref<128xi32, #tpu.memory_space<vmem>>) semaphore(%run_scoped3A : memref<!tpu.dma_semaphore, #tpu.memory_space<semaphore_mem>>) {add = true}
        %dma_wait3A_60 = arith.constant 0 : i32
        %dma_wait3A_61 = tpu.memref_slice %arg7[%add3A_35, %dma_wait3A_60] : memref<97x128xi32, #tpu.memory_space<vmem>> -> memref<1x128xi32, #tpu.memory_space<vmem>>
        %dma_wait3A_62 = tpu.memref_squeeze %dma_wait3A_61 : memref<1x128xi32, #tpu.memory_space<vmem>> -> memref<128xi32, #tpu.memory_space<vmem>>
        %dma_wait3A_63 = arith.constant 0 : i32
        %dma_wait3A_64 = arith.constant 0 : i32
        %dma_wait3A_65 = tpu.memref_slice %arg10[%dma_wait3A_63, %dma_wait3A_64] : memref<10112x128xf32, #tpu.memory_space<vmem_shared>> -> memref<10112x128xf32, #tpu.memory_space<vmem_shared>>
        tpu.wait_indirect_dma semaphore(%run_scoped3A : memref<!tpu.dma_semaphore, #tpu.memory_space<semaphore_mem>>) src(%arg8 : memref<128x128xf32, #tpu.memory_space<vmem>>) dst(%dma_wait3A_65 : memref<10112x128xf32, #tpu.memory_space<vmem_shared>>)
        tpu.yield
      }) : () -> ()
    }
    %barrier3A_28 = arith.constant 0 : index
    tpu.barrier barrier_id(%barrier3A_28)
    %mul3A_29 = arith.constant 632 : i32
    %mul3A_30 = arith.muli %arg1, %mul3A_29 : i32
    %mul3A_31 = arith.constant 632 : i32
    %mul3A_32 = arith.muli %arg1, %mul3A_31 : i32
    "tpu.region"() ({
      %run_scoped3A = tpu.sem_alloc : memref<!tpu.dma_semaphore, #tpu.memory_space<semaphore_mem>>
      %dma_start3A = arith.constant 0 : i32
      %dma_start3A_33 = tpu.memref_slice %arg5[%arg0, %mul3A_32, %dma_start3A] : memref<2x10112x128xf32, #tpu.memory_space<hbm>> -> memref<1x632x128xf32, #tpu.memory_space<hbm>>
      %dma_start3A_34 = tpu.memref_squeeze %dma_start3A_33 : memref<1x632x128xf32, #tpu.memory_space<hbm>> -> memref<632x128xf32, #tpu.memory_space<hbm>>
      %dma_start3A_35 = arith.constant 0 : i32
      %dma_start3A_36 = tpu.memref_slice %arg10[%mul3A_30, %dma_start3A_35] : memref<10112x128xf32, #tpu.memory_space<vmem_shared>> -> memref<632x128xf32, #tpu.memory_space<vmem_shared>>
      tpu.enqueue_dma source(%dma_start3A_36 : memref<632x128xf32, #tpu.memory_space<vmem_shared>>) target(%dma_start3A_34 : memref<632x128xf32, #tpu.memory_space<hbm>>) target_semaphore(%run_scoped3A : memref<!tpu.dma_semaphore, #tpu.memory_space<semaphore_mem>>)
      %dma_wait3A = arith.constant 0 : i32
      %dma_wait3A_37 = tpu.memref_slice %arg5[%arg0, %mul3A_32, %dma_wait3A] : memref<2x10112x128xf32, #tpu.memory_space<hbm>> -> memref<1x632x128xf32, #tpu.memory_space<hbm>>
      %dma_wait3A_38 = tpu.memref_squeeze %dma_wait3A_37 : memref<1x632x128xf32, #tpu.memory_space<hbm>> -> memref<632x128xf32, #tpu.memory_space<hbm>>
      %dma_wait3A_39 = arith.constant 0 : i32
      %dma_wait3A_40 = tpu.memref_slice %arg10[%mul3A_30, %dma_wait3A_39] : memref<10112x128xf32, #tpu.memory_space<vmem_shared>> -> memref<632x128xf32, #tpu.memory_space<vmem_shared>>
      tpu.wait_dma2 semaphore(%run_scoped3A : memref<!tpu.dma_semaphore, #tpu.memory_space<semaphore_mem>>) src(%dma_wait3A_40 : memref<632x128xf32, #tpu.memory_space<vmem_shared>>) dst(%dma_wait3A_38 : memref<632x128xf32, #tpu.memory_space<hbm>>)
      tpu.yield
    }) : () -> ()
    return
  }
}

module attributes {stable_mosaic.version = 14 : i64} {
  func.func @body(%arg0: i32, %arg1: memref<1000x128xf32, #tpu.memory_space<vmem>>, %arg2: memref<128x128xf32, #tpu.memory_space<vmem>>, %arg3: memref<1000x128xf32, #tpu.memory_space<vmem>>, %arg4: memref<1000x128xf32, #tpu.memory_space<vmem>>, %arg5: memref<1000x128xf32, #tpu.memory_space<vmem>>, %arg6: memref<1000x1xf32, #tpu.memory_space<vmem>>) attributes {dimension_semantics = [#tpu.dimension_semantics<arbitrary>], iteration_bounds = array<i64: 10>, scalar_prefetch = 0 : i64, scratch_operands = 0 : i64, tpu.core_type = #tpu.core_type<tc>, window_params = [{transform_indices = @transform_0, window_bounds = array<i64: 1000, 128>}, {pipeline_mode = #tpu.pipeline_mode<synchronous>, transform_indices = @transform_1, window_bounds = array<i64: 128, 128>}, {transform_indices = @transform_2, window_bounds = array<i64: 1000, 128>}, {transform_indices = @transform_3, window_bounds = array<i64: 1000, 128>}, {transform_indices = @transform_4, window_bounds = array<i64: 1000, 128>}, {transform_indices = @transform_5, window_bounds = array<i64: 1000, 1>}]} {
    %get3A = arith.constant 0 : index
    %get3A_0 = arith.constant 0 : index
    %get3A_1 = vector.load %arg3[%get3A, %get3A_0] : memref<1000x128xf32, #tpu.memory_space<vmem>>, vector<1000x1xf32>
    %get3A_2 = arith.constant 0 : index
    %get3A_3 = arith.constant 0 : index
    %get3A_4 = vector.load %arg4[%get3A_2, %get3A_3] : memref<1000x128xf32, #tpu.memory_space<vmem>>, vector<1000x1xf32>
    %add3A = arith.addf %get3A_1, %get3A_4 : vector<1000x1xf32>
    %add3A_5 = arith.constant 1.000000e+00 : f32
    %add3A_6 = vector.broadcast %add3A_5 : f32 to vector<1000x1xf32>
    %add3A_7 = arith.addf %add3A, %add3A_6 : vector<1000x1xf32>
    %rsqrt3A = math.rsqrt %add3A_7 : vector<1000x1xf32>
    %get3A_8 = arith.constant 0 : index
    %get3A_9 = arith.constant 0 : index
    %get3A_10 = vector.load %arg1[%get3A_8, %get3A_9] : memref<1000x128xf32, #tpu.memory_space<vmem>>, vector<1000x128xf32>
    %get3A_11 = arith.constant 0 : index
    %get3A_12 = arith.constant 0 : index
    %get3A_13 = vector.load %arg2[%get3A_11, %get3A_12] : memref<128x128xf32, #tpu.memory_space<vmem>>, vector<128x128xf32>
    %dot_general3A = arith.constant dense<0.000000e+00> : vector<1000x128xf32>
    %dot_general3A_14 = tpu.matmul %get3A_10, %get3A_13, %dot_general3A {dimension_numbers = #tpu.dot_dimension_numbers<[1], [0], [0], [1], [0, 0, 1, 1], [], []>, transpose_lhs_hint = false} : vector<1000x128xf32>, vector<128x128xf32>, vector<1000x128xf32> -> vector<1000x128xf32>
    %mul3A = vector.broadcast %rsqrt3A : vector<1000x1xf32> to vector<1000x128xf32>
    %mul3A_15 = arith.mulf %dot_general3A_14, %mul3A : vector<1000x128xf32>
    %swap3A = arith.constant 0 : index
    %swap3A_16 = arith.constant 0 : index
    %swap3A_17 = vector.load %arg5[%swap3A, %swap3A_16] : memref<1000x128xf32, #tpu.memory_space<vmem>>, vector<1000x128xf32>
    tpu.vector_store %arg5[%swap3A, %swap3A_16], %mul3A_15 {strides = array<i32>} : memref<1000x128xf32, #tpu.memory_space<vmem>>, vector<1000x128xf32>,
    %swap3A_18 = arith.constant 0 : index
    %swap3A_19 = arith.constant 0 : index
    %swap3A_20 = vector.load %arg6[%swap3A_18, %swap3A_19] : memref<1000x1xf32, #tpu.memory_space<vmem>>, vector<1000x1xf32>
    tpu.vector_store %arg6[%swap3A_18, %swap3A_19], %rsqrt3A {strides = array<i32>} : memref<1000x1xf32, #tpu.memory_space<vmem>>, vector<1000x1xf32>,
    return
  }
  func.func @transform_0(%arg0: i32) -> (i32, i32) {
    %c0_i32 = arith.constant 0 : i32
    %c0_i32_0 = arith.constant 0 : i32
    return %arg0, %c0_i32 : i32, i32
  }
  func.func @transform_1(%arg0: i32) -> (i32, i32) {
    %c0_i32 = arith.constant 0 : i32
    %c0_i32_0 = arith.constant 0 : i32
    %c0_i32_1 = arith.constant 0 : i32
    return %c0_i32, %c0_i32_0 : i32, i32
  }
  func.func @transform_2(%arg0: i32) -> (i32, i32) {
    %c0_i32 = arith.constant 0 : i32
    %c0_i32_0 = arith.constant 0 : i32
    return %arg0, %c0_i32 : i32, i32
  }
  func.func @transform_3(%arg0: i32) -> (i32, i32) {
    %c0_i32 = arith.constant 0 : i32
    %c0_i32_0 = arith.constant 0 : i32
    return %arg0, %c0_i32 : i32, i32
  }
  func.func @transform_4(%arg0: i32) -> (i32, i32) {
    %c0_i32 = arith.constant 0 : i32
    %c0_i32_0 = arith.constant 0 : i32
    return %arg0, %c0_i32 : i32, i32
  }
  func.func @transform_5(%arg0: i32) -> (i32, i32) {
    %c0_i32 = arith.constant 0 : i32
    %c0_i32_0 = arith.constant 0 : i32
    return %arg0, %c0_i32 : i32, i32
  }
}

module attributes {stable_mosaic.version = 14 : i64} {
  func.func @body(%arg0: i32, %arg1: memref<1000x128xf32, #tpu.memory_space<vmem>>, %arg2: memref<1000x128xf32, #tpu.memory_space<vmem>>, %arg3: memref<1000x128xf32, #tpu.memory_space<vmem>>, %arg4: memref<1000x1xf32, #tpu.memory_space<vmem>>, %arg5: memref<1x128xf32, #tpu.memory_space<vmem>>, %arg6: memref<128x128xf32, #tpu.memory_space<vmem>>, %arg7: memref<1000x128xf32, #tpu.memory_space<vmem>>) attributes {dimension_semantics = [#tpu.dimension_semantics<arbitrary>], iteration_bounds = array<i64: 10>, scalar_prefetch = 0 : i64, scratch_operands = 0 : i64, tpu.core_type = #tpu.core_type<tc>, window_params = [{transform_indices = @transform_0, window_bounds = array<i64: 1000, 128>}, {transform_indices = @transform_1, window_bounds = array<i64: 1000, 128>}, {transform_indices = @transform_2, window_bounds = array<i64: 1000, 128>}, {transform_indices = @transform_3, window_bounds = array<i64: 1000, 1>}, {pipeline_mode = #tpu.pipeline_mode<synchronous>, transform_indices = @transform_4, window_bounds = array<i64: 1, 128>}, {pipeline_mode = #tpu.pipeline_mode<synchronous>, transform_indices = @transform_5, window_bounds = array<i64: 128, 128>}, {transform_indices = @transform_6, window_bounds = array<i64: 1000, 128>}]} {
    %get3A = arith.constant 0 : index
    %get3A_0 = arith.constant 0 : index
    %get3A_1 = vector.load %arg4[%get3A, %get3A_0] : memref<1000x1xf32, #tpu.memory_space<vmem>>, vector<1000x1xf32>
    %get3A_2 = arith.constant 0 : index
    %get3A_3 = arith.constant 0 : index
    %get3A_4 = vector.load %arg1[%get3A_2, %get3A_3] : memref<1000x128xf32, #tpu.memory_space<vmem>>, vector<1000x128xf32>
    %get3A_5 = arith.constant 0 : index
    %get3A_6 = arith.constant 0 : index
    %get3A_7 = vector.load %arg2[%get3A_5, %get3A_6] : memref<1000x128xf32, #tpu.memory_space<vmem>>, vector<1000x128xf32>
    %add3A = arith.addf %get3A_4, %get3A_7 : vector<1000x128xf32>
    %get3A_8 = arith.constant 0 : index
    %get3A_9 = arith.constant 0 : index
    %get3A_10 = vector.load %arg3[%get3A_8, %get3A_9] : memref<1000x128xf32, #tpu.memory_space<vmem>>, vector<1000x128xf32>
    %add3A_11 = arith.addf %add3A, %get3A_10 : vector<1000x128xf32>
    %mul3A = vector.broadcast %get3A_1 : vector<1000x1xf32> to vector<1000x128xf32>
    %mul3A_12 = arith.mulf %add3A_11, %mul3A : vector<1000x128xf32>
    %get3A_13 = arith.constant 0 : index
    %get3A_14 = arith.constant 0 : index
    %get3A_15 = vector.load %arg5[%get3A_13, %get3A_14] : memref<1x128xf32, #tpu.memory_space<vmem>>, vector<1x128xf32>
    %add3A_16 = vector.broadcast %get3A_15 : vector<1x128xf32> to vector<1000x128xf32>
    %add3A_17 = arith.addf %mul3A_12, %add3A_16 : vector<1000x128xf32>
    %max3A = arith.constant 0.000000e+00 : f32
    %max3A_18 = vector.broadcast %max3A : f32 to vector<1000x128xf32>
    %max3A_19 = arith.maximumf %add3A_17, %max3A_18 : vector<1000x128xf32>
    %get3A_20 = arith.constant 0 : index
    %get3A_21 = arith.constant 0 : index
    %get3A_22 = vector.load %arg6[%get3A_20, %get3A_21] : memref<128x128xf32, #tpu.memory_space<vmem>>, vector<128x128xf32>
    %dot_general3A = arith.constant dense<0.000000e+00> : vector<1000x128xf32>
    %dot_general3A_23 = tpu.matmul %max3A_19, %get3A_22, %dot_general3A {dimension_numbers = #tpu.dot_dimension_numbers<[1], [0], [0], [1], [0, 0, 1, 1], [], []>, transpose_lhs_hint = false} : vector<1000x128xf32>, vector<128x128xf32>, vector<1000x128xf32> -> vector<1000x128xf32>
    %mul3A_24 = vector.broadcast %get3A_1 : vector<1000x1xf32> to vector<1000x128xf32>
    %mul3A_25 = arith.mulf %dot_general3A_23, %mul3A_24 : vector<1000x128xf32>
    %swap3A = arith.constant 0 : index
    %swap3A_26 = arith.constant 0 : index
    %swap3A_27 = vector.load %arg7[%swap3A, %swap3A_26] : memref<1000x128xf32, #tpu.memory_space<vmem>>, vector<1000x128xf32>
    tpu.vector_store %arg7[%swap3A, %swap3A_26], %mul3A_25 {strides = array<i32>} : memref<1000x128xf32, #tpu.memory_space<vmem>>, vector<1000x128xf32>,
    return
  }
  func.func @transform_0(%arg0: i32) -> (i32, i32) {
    %c0_i32 = arith.constant 0 : i32
    %c0_i32_0 = arith.constant 0 : i32
    return %arg0, %c0_i32 : i32, i32
  }
  func.func @transform_1(%arg0: i32) -> (i32, i32) {
    %c0_i32 = arith.constant 0 : i32
    %c0_i32_0 = arith.constant 0 : i32
    return %arg0, %c0_i32 : i32, i32
  }
  func.func @transform_2(%arg0: i32) -> (i32, i32) {
    %c0_i32 = arith.constant 0 : i32
    %c0_i32_0 = arith.constant 0 : i32
    return %arg0, %c0_i32 : i32, i32
  }
  func.func @transform_3(%arg0: i32) -> (i32, i32) {
    %c0_i32 = arith.constant 0 : i32
    %c0_i32_0 = arith.constant 0 : i32
    return %arg0, %c0_i32 : i32, i32
  }
  func.func @transform_4(%arg0: i32) -> (i32, i32) {
    %c0_i32 = arith.constant 0 : i32
    %c0_i32_0 = arith.constant 0 : i32
    %c0_i32_1 = arith.constant 0 : i32
    return %c0_i32, %c0_i32_0 : i32, i32
  }
  func.func @transform_5(%arg0: i32) -> (i32, i32) {
    %c0_i32 = arith.constant 0 : i32
    %c0_i32_0 = arith.constant 0 : i32
    %c0_i32_1 = arith.constant 0 : i32
    return %c0_i32, %c0_i32_0 : i32, i32
  }
  func.func @transform_6(%arg0: i32) -> (i32, i32) {
    %c0_i32 = arith.constant 0 : i32
    %c0_i32_0 = arith.constant 0 : i32
    return %arg0, %c0_i32 : i32, i32
  }
}

module attributes {stable_mosaic.version = 14 : i64} {
  func.func @body(%arg0: i32, %arg1: memref<1000x128xf32, #tpu.memory_space<vmem>>, %arg2: memref<1000x128xf32, #tpu.memory_space<vmem>>, %arg3: memref<1000x128xf32, #tpu.memory_space<vmem>>, %arg4: memref<1000x1xf32, #tpu.memory_space<vmem>>, %arg5: memref<1x128xf32, #tpu.memory_space<vmem>>, %arg6: memref<384x16xf32, #tpu.memory_space<vmem>>, %arg7: memref<1x16xf32, #tpu.memory_space<vmem>>, %arg8: memref<1x16xf32, #tpu.memory_space<vmem>>, %arg9: memref<1x128xf32, #tpu.memory_space<vmem>>, %arg10: memref<1x128xf32, #tpu.memory_space<vmem>>) attributes {dimension_semantics = [#tpu.dimension_semantics<arbitrary>], iteration_bounds = array<i64: 10>, scalar_prefetch = 0 : i64, scratch_operands = 2 : i64, tpu.core_type = #tpu.core_type<tc>, window_params = [{transform_indices = @transform_0, window_bounds = array<i64: 1000, 128>}, {transform_indices = @transform_1, window_bounds = array<i64: 1000, 128>}, {transform_indices = @transform_2, window_bounds = array<i64: 1000, 128>}, {transform_indices = @transform_3, window_bounds = array<i64: 1000, 1>}, {pipeline_mode = #tpu.pipeline_mode<synchronous>, transform_indices = @transform_4, window_bounds = array<i64: 1, 128>}, {pipeline_mode = #tpu.pipeline_mode<synchronous>, transform_indices = @transform_5, window_bounds = array<i64: 384, 16>}, {pipeline_mode = #tpu.pipeline_mode<synchronous>, transform_indices = @transform_6, window_bounds = array<i64: 1, 16>}, {pipeline_mode = #tpu.pipeline_mode<synchronous>, transform_indices = @transform_7, window_bounds = array<i64: 1, 16>}]} {
    %get3A = arith.constant 0 : index
    %get3A_0 = arith.constant 0 : index
    %get3A_1 = vector.load %arg1[%get3A, %get3A_0] : memref<1000x128xf32, #tpu.memory_space<vmem>>, vector<1000x128xf32>
    %get3A_2 = arith.constant 0 : index
    %get3A_3 = arith.constant 0 : index
    %get3A_4 = vector.load %arg2[%get3A_2, %get3A_3] : memref<1000x128xf32, #tpu.memory_space<vmem>>, vector<1000x128xf32>
    %add3A = arith.addf %get3A_1, %get3A_4 : vector<1000x128xf32>
    %get3A_5 = arith.constant 0 : index
    %get3A_6 = arith.constant 0 : index
    %get3A_7 = vector.load %arg3[%get3A_5, %get3A_6] : memref<1000x128xf32, #tpu.memory_space<vmem>>, vector<1000x128xf32>
    %add3A_8 = arith.addf %add3A, %get3A_7 : vector<1000x128xf32>
    %get3A_9 = arith.constant 0 : index
    %get3A_10 = arith.constant 0 : index
    %get3A_11 = vector.load %arg4[%get3A_9, %get3A_10] : memref<1000x1xf32, #tpu.memory_space<vmem>>, vector<1000x1xf32>
    %mul3A = vector.broadcast %get3A_11 : vector<1000x1xf32> to vector<1000x128xf32>
    %mul3A_12 = arith.mulf %add3A_8, %mul3A : vector<1000x128xf32>
    %get3A_13 = arith.constant 0 : index
    %get3A_14 = arith.constant 0 : index
    %get3A_15 = vector.load %arg5[%get3A_13, %get3A_14] : memref<1x128xf32, #tpu.memory_space<vmem>>, vector<1x128xf32>
    %add3A_16 = vector.broadcast %get3A_15 : vector<1x128xf32> to vector<1000x128xf32>
    %add3A_17 = arith.addf %mul3A_12, %add3A_16 : vector<1000x128xf32>
    %max3A = arith.constant 0.000000e+00 : f32
    %max3A_18 = vector.broadcast %max3A : f32 to vector<1000x128xf32>
    %max3A_19 = arith.maximumf %add3A_17, %max3A_18 : vector<1000x128xf32>
    %reduce_sum3A = arith.constant dense<0.000000e+00> : vector<128xf32>
    %reduce_sum3A_20 = vector.multi_reduction <add>, %max3A_19, %reduce_sum3A [0] : vector<1000x128xf32> to vector<128xf32>
    %broadcast_in_dim3A = vector.shape_cast %reduce_sum3A_20 : vector<128xf32> to vector<1x128xf32>
    %reduce_max3A = arith.constant dense<0xFF800000> : vector<128xf32>
    %reduce_max3A_21 = vector.multi_reduction <maximumf>, %max3A_19, %reduce_max3A [0] : vector<1000x128xf32> to vector<128xf32>
    %broadcast_in_dim3A_22 = vector.shape_cast %reduce_max3A_21 : vector<128xf32> to vector<1x128xf32>
    %eq3A = arith.constant 0 : i32
    %eq3A_23 = arith.cmpi eq, %arg0, %eq3A : i32
    %convert_element_type3A = arith.extui %eq3A_23 : i1 to i32
    %cond3A = arith.constant 0 : i32
    %cond3A_24 = arith.cmpi ne, %convert_element_type3A, %cond3A : i32
    scf.if %cond3A_24 {
      %swap3A = arith.constant 0 : index
      %swap3A_34 = arith.constant 0 : index
      %swap3A_35 = vector.load %arg9[%swap3A, %swap3A_34] : memref<1x128xf32, #tpu.memory_space<vmem>>, vector<1x128xf32>
      tpu.vector_store %arg9[%swap3A, %swap3A_34], %broadcast_in_dim3A {strides = array<i32>} : memref<1x128xf32, #tpu.memory_space<vmem>>, vector<1x128xf32>,
      %swap3A_36 = arith.constant 0 : index
      %swap3A_37 = arith.constant 0 : index
      %swap3A_38 = vector.load %arg10[%swap3A_36, %swap3A_37] : memref<1x128xf32, #tpu.memory_space<vmem>>, vector<1x128xf32>
      tpu.vector_store %arg10[%swap3A_36, %swap3A_37], %broadcast_in_dim3A_22 {strides = array<i32>} : memref<1x128xf32, #tpu.memory_space<vmem>>, vector<1x128xf32>,
    } else {
    }
    %gt3A = arith.constant 0 : i32
    %gt3A_25 = arith.cmpi sgt, %arg0, %gt3A : i32
    %convert_element_type3A_26 = arith.extui %gt3A_25 : i1 to i32
    %cond3A_27 = arith.constant 0 : i32
    %cond3A_28 = arith.cmpi ne, %convert_element_type3A_26, %cond3A_27 : i32
    scf.if %cond3A_28 {
      %get3A_34 = arith.constant 0 : index
      %get3A_35 = arith.constant 0 : index
      %get3A_36 = vector.load %arg9[%get3A_34, %get3A_35] : memref<1x128xf32, #tpu.memory_space<vmem>>, vector<1x128xf32>
      %add3A_37 = arith.addf %get3A_36, %broadcast_in_dim3A : vector<1x128xf32>
      %swap3A = arith.constant 0 : index
      %swap3A_38 = arith.constant 0 : index
      %swap3A_39 = vector.load %arg9[%swap3A, %swap3A_38] : memref<1x128xf32, #tpu.memory_space<vmem>>, vector<1x128xf32>
      tpu.vector_store %arg9[%swap3A, %swap3A_38], %add3A_37 {strides = array<i32>} : memref<1x128xf32, #tpu.memory_space<vmem>>, vector<1x128xf32>,
      %get3A_40 = arith.constant 0 : index
      %get3A_41 = arith.constant 0 : index
      %get3A_42 = vector.load %arg10[%get3A_40, %get3A_41] : memref<1x128xf32, #tpu.memory_space<vmem>>, vector<1x128xf32>
      %max3A_43 = arith.maximumf %get3A_42, %broadcast_in_dim3A_22 : vector<1x128xf32>
      %swap3A_44 = arith.constant 0 : index
      %swap3A_45 = arith.constant 0 : index
      %swap3A_46 = vector.load %arg10[%swap3A_44, %swap3A_45] : memref<1x128xf32, #tpu.memory_space<vmem>>, vector<1x128xf32>
      tpu.vector_store %arg10[%swap3A_44, %swap3A_45], %max3A_43 {strides = array<i32>} : memref<1x128xf32, #tpu.memory_space<vmem>>, vector<1x128xf32>,
    } else {
    }
    %eq3A_29 = arith.constant 9 : i32
    %eq3A_30 = arith.cmpi eq, %arg0, %eq3A_29 : i32
    %convert_element_type3A_31 = arith.extui %eq3A_30 : i1 to i32
    %cond3A_32 = arith.constant 0 : i32
    %cond3A_33 = arith.cmpi ne, %convert_element_type3A_31, %cond3A_32 : i32
    scf.if %cond3A_33 {
      %get3A_34 = arith.constant 0 : index
      %get3A_35 = arith.constant 0 : index
      %get3A_36 = vector.load %arg9[%get3A_34, %get3A_35] : memref<1x128xf32, #tpu.memory_space<vmem>>, vector<1x128xf32>
      %mul3A_37 = arith.constant 9.99999974E-5 : f32
      %mul3A_38 = vector.broadcast %mul3A_37 : f32 to vector<1x128xf32>
      %mul3A_39 = arith.mulf %get3A_36, %mul3A_38 : vector<1x128xf32>
      %get3A_40 = arith.constant 0 : index
      %get3A_41 = arith.constant 0 : index
      %get3A_42 = vector.load %arg10[%get3A_40, %get3A_41] : memref<1x128xf32, #tpu.memory_space<vmem>>, vector<1x128xf32>
      %get3A_43 = arith.constant 0 : index
      %get3A_44 = arith.constant 0 : index
      %get3A_45 = vector.load %arg9[%get3A_43, %get3A_44] : memref<1x128xf32, #tpu.memory_space<vmem>>, vector<1x128xf32>
      %concatenate3A = tpu.concatenate %mul3A_39, %get3A_42, %get3A_45 in 1 : vector<1x128xf32>, vector<1x128xf32>, vector<1x128xf32> -> vector<1x384xf32>
      %get3A_46 = arith.constant 0 : index
      %get3A_47 = arith.constant 0 : index
      %get3A_48 = vector.load %arg6[%get3A_46, %get3A_47] : memref<384x16xf32, #tpu.memory_space<vmem>>, vector<384x16xf32>
      %dot_general3A = arith.constant dense<0.000000e+00> : vector<1x16xf32>
      %dot_general3A_49 = tpu.matmul %concatenate3A, %get3A_48, %dot_general3A {dimension_numbers = #tpu.dot_dimension_numbers<[1], [0], [0], [1], [0, 0, 1, 1], [], []>, transpose_lhs_hint = false} : vector<1x384xf32>, vector<384x16xf32>, vector<1x16xf32> -> vector<1x16xf32>
      %get3A_50 = arith.constant 0 : index
      %get3A_51 = arith.constant 0 : index
      %get3A_52 = vector.load %arg7[%get3A_50, %get3A_51] : memref<1x16xf32, #tpu.memory_space<vmem>>, vector<1x16xf32>
      %add3A_53 = arith.addf %dot_general3A_49, %get3A_52 : vector<1x16xf32>
      %swap3A = arith.constant 0 : index
      %swap3A_54 = arith.constant 0 : index
      %swap3A_55 = vector.load %arg8[%swap3A, %swap3A_54] : memref<1x16xf32, #tpu.memory_space<vmem>>, vector<1x16xf32>
      tpu.vector_store %arg8[%swap3A, %swap3A_54], %add3A_53 {strides = array<i32>} : memref<1x16xf32, #tpu.memory_space<vmem>>, vector<1x16xf32>,
    } else {
    }
    return
  }
  func.func @transform_0(%arg0: i32) -> (i32, i32) {
    %c0_i32 = arith.constant 0 : i32
    %c0_i32_0 = arith.constant 0 : i32
    return %arg0, %c0_i32 : i32, i32
  }
  func.func @transform_1(%arg0: i32) -> (i32, i32) {
    %c0_i32 = arith.constant 0 : i32
    %c0_i32_0 = arith.constant 0 : i32
    return %arg0, %c0_i32 : i32, i32
  }
  func.func @transform_2(%arg0: i32) -> (i32, i32) {
    %c0_i32 = arith.constant 0 : i32
    %c0_i32_0 = arith.constant 0 : i32
    return %arg0, %c0_i32 : i32, i32
  }
  func.func @transform_3(%arg0: i32) -> (i32, i32) {
    %c0_i32 = arith.constant 0 : i32
    %c0_i32_0 = arith.constant 0 : i32
    return %arg0, %c0_i32 : i32, i32
  }
  func.func @transform_4(%arg0: i32) -> (i32, i32) {
    %c0_i32 = arith.constant 0 : i32
    %c0_i32_0 = arith.constant 0 : i32
    %c0_i32_1 = arith.constant 0 : i32
    return %c0_i32, %c0_i32_0 : i32, i32
  }
  func.func @transform_5(%arg0: i32) -> (i32, i32) {
    %c0_i32 = arith.constant 0 : i32
    %c0_i32_0 = arith.constant 0 : i32
    %c0_i32_1 = arith.constant 0 : i32
    return %c0_i32, %c0_i32_0 : i32, i32
  }
  func.func @transform_6(%arg0: i32) -> (i32, i32) {
    %c0_i32 = arith.constant 0 : i32
    %c0_i32_0 = arith.constant 0 : i32
    %c0_i32_1 = arith.constant 0 : i32
    return %c0_i32, %c0_i32_0 : i32, i32
  }
  func.func @transform_7(%arg0: i32) -> (i32, i32) {
    %c0_i32 = arith.constant 0 : i32
    %c0_i32_0 = arith.constant 0 : i32
    %c0_i32_1 = arith.constant 0 : i32
    return %c0_i32, %c0_i32_0 : i32, i32
  }
}

</mosaic_0001>

<sc_bundles>
// kernel: kernel.11.cloned.1.call-start
scs
__scs_entry_jumppad:
0x0: {  	(pc) =	sbr.rel $0x88, $3  }
0x1: {  	(tag) =	ssettag $0x0;
	lr =	simm.s32 $0x1  }
0x2: {  	[smem:$0x3F99] =	sst lr;
	_ =	strace $0xD0000000  }
0x3: {  	_ = 	snop  }
0x4: {  	_ = 	snop  }
0x5: {  	_ = 	snop  }
0x6: {  	_ = 	snop  }
0x7: {  	_ = 	snop  }
__scs_overlays_trampoline_lowered:
0x8: {  	[smem:$0x3FA8] =	sst s0  }
0x9: {  	[smem:$0x3FA9] =	sst s1  }
0xa: {  	[smem:$0x3FAA] =	sst s2  }
0xb: {  	[smem:$0x3FAB] =	sst s3  }
0xc: {  	[smem:$0x3FAC] =	sst s4  }
0xd: {  	[smem:$0x3FAD] =	sst s5  }
0xe: {  	[smem:$0x3FAE] =	sst s6  }
0xf: {  	[smem:$0x3FAF] =	sst s7  }
0x10: {  	[smem:$0x3FB0] =	sst s8  }
0x11: {  	[smem:$0x3FB1] =	sst s9;
	s0 =	simm.s32 @!p0 $0x0  }
0x12: {  	s1 =	sld [smem:$0x3F97];
	s0 =	simm.s32 @p0 $0x1  }
0x13: {  	[smem:$0x3FB2] =	sst s0;
	s0 =	simm.s32 @!p1 $0x0  }
0x14: {  	s2 =	sld [smem:$0x3F96];
	s0 =	simm.s32 @p1 $0x1  }
0x15: {  	[smem:$0x3FB3] =	sst s0;
	s0 =	simm.s32 @!p2 $0x0  }
0x16: {  	s3 =	sld [smem:$0x3FDB];
	s0 =	simm.s32 @p2 $0x1  }
0x17: {  	s4 =	simm.s32 $0x1BF5;
	[smem:$0x3FB5] =	sst s0  }
0x18: {  	s0 =	sld [smem:$0x3F98];
	_ =	swait.ge [sflag:s4], $0x0  }
0x19: {  	s7 =	sld [smem:$0x3F99]  }
0x1a: {  	s8 =	sadd.s32 $0xFFFFE003, lr  }
0x1b: {  	s9 =	sadd.s32 $0xFFFFFEF7, lr;
	s5 =	simm.s32 $0xFFFFFFFF;
	p2 =	slt.u32 s8, $0xFFFFF086  }
0x1c: {  	p1 =	slt.u32 s9, $0xF7A;
	s5 =	simm.s32 @!p2 $0x0  }
0x1d: {  	s5 =	simm.s32 @p1 $0x1;
	p0 =	seq.s32 s7, s2  }
0x1e: {  	s7 =	smul.u32 @!p0 $0xF7A, s2;
	p2 =	seq.s32 @!p0 s5, $0x0  }
0x1f: {  	s9 =	smul.u32 $0xF7A, s1;
	s8 =	simm.s32 @!p0 $0x1BF5;
	p2 =	por !p2, p0  }
0x20: {  	[sflag:s8] =	ssyncset.s32 @!p0 $0xFFFFF086;
	s6 =	sadd.s32 @!p0 s3, s7;
	s7 =	simm.s32 @!p0 $0x108  }
0x21: {  	s3 =	sadd.s32 s3, s9;
	s6 =	sadd.s32 @!p0 $0x88, s6;
	s7 =	simm.s32 @p2 $0x1082  }
0x22: {  	[simem:s7], [sflag:s8] =	dma.local @!p0 [hbm:s6], $0xF7A  }
0x23: {  	s9 =	sor.u32 $0xD0000000, s2;
	s6 =	simm.s32 $0x108;
	_ =	swait.ge @!p0 [sflag:s8], $0x0  }
0x24: {  	s3 =	sadd.s32 $0x88, s3;
	s6 =	simm.s32 @!p1 $0x1082;
	[sflag:s4] =	ssyncset.s32 $0xFFFFF086  }
0x25: {  	[simem:s6], [sflag:s4] =	dma.local [hbm:s3], $0xF7A  }
0x26: {  	[smem:$0x3F99] =	sst s1;
	(tag) =	ssettag s2;
	_ =	strace s9  }
0x27: {  	s1 =	sld [smem:$0x3FA9]  }
0x28: {  	s2 =	sld [smem:$0x3FAA]  }
0x29: {  	s4 =	sld [smem:$0x3FAC]  }
0x2a: {  	p0 =	seq.s32 s5, $0x0;
	s5 =	sld [smem:$0x3FAD]  }
0x2b: {  	s6 =	sld [smem:$0x3FAE]  }
0x2c: {  	s7 =	sld [smem:$0x3FAF]  }
0x2d: {  	s3 =	simm.s32 $0x108;
	s8 =	sld [smem:$0x3FB0]  }
0x2e: {  	s3 =	simm.s32 @!p0 $0x1082;
	s9 =	sld [smem:$0x3FB1]  }
0x2f: {  	lr =	sadd.s32 s0, s3;
	s0 =	sld [smem:$0x3FA8]  }
0x30: {  	s3 =	sld [smem:$0x3FAB]  }
0x31: {  	[smem:$0x3FB4] =	sst s10  }
0x32: {  	s10 =	sld [smem:$0x3FB2];
	_ =	sdelay $0x3  }
0x33: {  	p0 =	seq.s32 s10, $0x1;
	s10 =	sld [smem:$0x3FB4];
	_ =	sdelay $0x3  }
0x34: {  	[smem:$0x3FB4] =	sst s10  }
0x35: {  	s10 =	sld [smem:$0x3FB3];
	_ =	sdelay $0x3  }
0x36: {  	p1 =	seq.s32 s10, $0x1;
	s10 =	sld [smem:$0x3FB4];
	_ =	sdelay $0x3  }
0x37: {  	[smem:$0x3FB4] =	sst s10  }
0x38: {  	s10 =	sld [smem:$0x3FB5]  }
0x39: {  	_ = 	snop;
	(pc) =	sbr.ind lr, $3  }
0x3a: {  	_ = 	snop  }
0x3b: {  	_ = 	snop  }
0x3c: {  	p2 =	seq.s32 s10, $0x1;
	s10 =	sld [smem:$0x3FB4]  }
0x3d: {  	_ =	shalt  }
0x3e: {  	_ =	shalt  }
0x3f: {  	_ =	shalt  }
0x40: {  	_ =	shalt  }
0x41: {  	_ =	shalt  }
0x42: {  	_ =	shalt  }
0x43: {  	_ =	shalt  }
0x44: {  	_ =	shalt  }
0x45: {  	_ =	shalt  }
0x46: {  	_ =	shalt  }
0x47: {  	_ =	shalt  }
0x48: {  	_ =	shalt  }
0x49: {  	_ =	shalt  }
0x4a: {  	_ =	shalt  }
0x4b: {  	_ =	shalt  }
0x4c: {  	_ =	shalt  }
0x4d: {  	_ =	shalt  }
0x4e: {  	_ =	shalt  }
0x4f: {  	_ =	shalt  }
0x50: {  	_ =	shalt  }
0x51: {  	_ =	shalt  }
0x52: {  	_ =	shalt  }
0x53: {  	_ =	shalt  }
0x54: {  	_ =	shalt  }
0x55: {  	_ =	shalt  }
0x56: {  	_ =	shalt  }
0x57: {  	_ =	shalt  }
0x58: {  	_ =	shalt  }
0x59: {  	_ =	shalt  }
0x5a: {  	_ =	shalt  }
0x5b: {  	_ =	shalt  }
0x5c: {  	_ =	shalt  }
0x5d: {  	_ =	shalt  }
0x5e: {  	_ =	shalt  }
0x5f: {  	_ =	shalt  }
0x60: {  	_ =	shalt  }
0x61: {  	_ =	shalt  }
0x62: {  	_ =	shalt  }
0x63: {  	_ =	shalt  }
0x64: {  	_ =	shalt  }
0x65: {  	_ =	shalt  }
0x66: {  	_ =	shalt  }
0x67: {  	_ =	shalt  }
0x68: {  	_ =	shalt  }
0x69: {  	_ =	shalt  }
0x6a: {  	_ =	shalt  }
0x6b: {  	_ =	shalt  }
0x6c: {  	_ =	shalt  }
0x6d: {  	_ =	shalt  }
0x6e: {  	_ =	shalt  }
0x6f: {  	_ =	shalt  }
0x70: {  	_ =	shalt  }
0x71: {  	_ =	shalt  }
0x72: {  	_ =	shalt  }
0x73: {  	_ =	shalt  }
0x74: {  	_ =	shalt  }
0x75: {  	_ =	shalt  }
0x76: {  	_ =	shalt  }
0x77: {  	_ =	shalt  }
0x78: {  	_ =	shalt  }
0x79: {  	_ =	shalt  }
0x7a: {  	_ =	shalt  }
0x7b: {  	_ =	shalt  }
0x7c: {  	_ =	shalt  }
0x7d: {  	_ =	shalt  }
0x7e: {  	_ =	shalt  }
0x7f: {  	_ =	shalt  }
0x80: {  	_ =	shalt  }
0x81: {  	_ =	shalt  }
0x82: {  	_ =	shalt  }
0x83: {  	_ =	shalt  }
0x84: {  	_ =	shalt  }
0x85: {  	_ =	shalt  }
0x86: {  	_ =	shalt  }
0x87: {  	_ =	shalt  }
.Lfunc_end0:
.L_simem_size_0:
called_computation.1_lowered:
.L_overlay_start_0:
0x88: {  	s2 =	sld [smem:$0x3FD9]  }
0x89: {  	s3 =	sld [smem:$0x3FFE];
	_ =	sdelay $0x1  }
0x8a: {  	s1 =	srdreg.scid  }
0x8b: {  	s0 =	sand.u32 $0x1, s1  }
0x8c: {  	s16 =	sshll.u32 s0, $0xA;
	s2 =	sadd.s32 s3, s2  }
0x8d: {  	s2 =	sadd.s32 s2, s16  }
0x8e: {  	[smem:$0x3FC0] =	sst s2  }
0x8f: {  	_ = 	snop  }
0x90: {  	(tm) =	ssettm $0x1  }
0x91: {  	s17 =	sld [smem:$0x3FFB];
	_ =	sdelay $0x3  }
0x92: {  	_ =	strace s17  }
0x93: {  	s2 =	sld [smem:$0x3FFC];
	_ =	sdelay $0x3  }
0x94: {  	_ =	strace s2  }
0x95: {  	s2 =	sld [smem:$0x3FFD];
	_ =	sdelay $0x3  }
0x96: {  	_ =	strace s2  }
0x97: {  	_ =	strace $0x8FFFFFFF  }
0x98: {  	s18 =	sld [smem:$0x3FDB];
	_ =	sdelay $0x1  }
0x99: {  	s19 =	simm.s32 $_scs_section_size  }
0x9a: {  	s4 =	simm.s32 $_size__tile_overlayer_lowered;
	s5 =	simm.s32 $_tile_overlayer_lowered  }
0x9b: {  	s22 =	simm.s32 $0x1BFF;
	s21 =	sshll.u32 s5, $0x1;
	s2 =	sadd.s32 s19, s18  }
0x9c: {  	s6 =	simm.s32 $0x0;
	s20 =	sshll.u32 s4, $0x1;
	s4 =	sadd.s32 s21, s2  }
0x9d: {  	[timem:s6], [sflag:s22] =	dma.local [hbm:s4], s20  }
0x9e: {  	_ =	swait.ge [sflag:s22], s20  }
0x9f: {  	s3 =	ssub.s32 $0x0, s20;
	[sflag:s22] =	ssyncset.done $0x0  }
0xa0: {  	[sflag:s22] =	ssyncadd.s32 s3;
	_ =	sdelay $0x1  }
0xa1: {  	s23 =	simm.s32 $0x1B8B  }
0xa2: {  	_ =	swait.ge [sflag:s23], $0x1  }
0xa3: {  	[sflag:s23] =	ssyncset.done $0x0  }
0xa4: {  	s25 =	simm.s32 $0x1B8E;
	s24 =	sld [smem:$0x3FFE];
	[sflag:s23] =	ssyncadd.s32 $0xFFFFFFFF  }
0xa5: {  	s26 =	simm.s32 $execute0_lowered;
	[smem:$0x3FD2] =	sst s25  }
0xa6: {  	s4 =	sshll.u32 s26, $0x1;
	_ =	strace $0x80000049;
	[dreg:$0x1] =	wrdreg $0xFFFFFFFF  }
0xa7: {  	s28 =	simm.s32 $_size_execute0_lowered;
	s2 =	sadd.s32 s2, s4;
	[dreg:$0x0] =	wrdreg $0x0  }
0xa8: {  	s4 =	sshll.u32 s28, $0x1;
	[dreg:$0x2] =	wrdreg s2  }
0xa9: {  	[dreg:$0x3] =	wrdreg s4  }
0xaa: {  	[dreg:$0x4] =	wrdreg $0xC0  }
0xab: {  	_ =	task [dreg:s6], $0x5FFFF  }
0xac: {  	[dreg:$0x1] =	wrdreg $0xFFFFFFFF  }
0xad: {  	[dreg:$0x0] =	wrdreg $0x60  }
0xae: {  	[dreg:$0x2] =	wrdreg s24  }
0xaf: {  	[dreg:$0x3] =	wrdreg $0xAC000  }
0xb0: {  	[dreg:$0x4] =	wrdreg $0x9  }
0xb1: {  	_ =	task.clear_ibuf [dreg:s6], $0x5FFFF;
	_ =	strace $0x90000049  }
0xb2: {  	s29 =	simm.s32 $0x9;
	_ =	strace $0x8000004B  }
0xb3: {  	_ =	swait.ge [sflag:s29], $0x1  }
0xb4: {  	[sflag:s29] =	ssyncadd.s32 $0xFFFFFFFF  }
0xb5: {  	_ =	strace $0x9000004B  }
0xb6: {  	_ =	sfence  }
0xb7: {  	s30 =	sld [smem:$0x0];
	_ =	sdelay $0x2  }
0xb8: {  	s31 =	sshll.u32 s1, $0xD;
	s1 =	sshrl.u32 s1, $0x2  }
0xb9: {  	s3 =	sand.u32 $0x4000, s31;
	s1 =	sadd.s32 s1, s30  }
0xba: {  	s0 =	sor.u32 s3, s0;
	s1 =	sshll.u32 s1, $0x11  }
0xbb: {  	s0 =	sor.u32 s1, s0  }
0xbc: {  	s0 =	sadd.s32 $0x8F2B, s0  }
0xbd: {  	[sflag:s0] =	ssyncadd.remote.s32 $0x1  }
0xbe: {  	_ =	sfence.sel $0xFFFF  }
0xbf: {  	[dreg:$0x0] =	wrdreg $0xFFFFFFFF;
	(pc) =	sbr.abs _section_cstart, $3  }
0xc0: {  	[dreg:$0x1] =	wrdreg $0xFFFFFFFF  }
0xc1: {  	_ =	task.clear_ibuf [dreg:s6], $0x2FFFF;
	_ =	strace $0x9FFFFFFF  }
0xc2: {  	(tm) =	ssettm $0x7FFFFFFF  }
0xc3: {  	_ =	shalt  }
tec
execute0_lowered:
.L_overlay_start_1:
0x0: {  	(tag) =	ssettag $0x1  }
0x1: {  	s4 =	rddreg [dreg:$0x0];
	s0 =	srdreg.scid  }
0x2: {  	s2 =	rddreg [dreg:$0x1];
	s1 =	stileid.u32;
	s3 =	simm.s32 $0x0  }
0x3: {  	s13 =	simm.s32 $0xA800;
	s14 =	simm.s32 $0x80;
	s15 =	simm.s32 $0x6800  }
0x4: {  	s16 =	simm.s32 $0x1;
	s19 =	simm.s32 $0x0;
	s9 =	smul.u32 $0x13C00, s1  }
0x5: {  	s6 =	sand.u32 $0x1, s0;
	s0 =	rddreg [dreg:$0x2];
	s11 =	smul.u32 $0x4F000, s1  }
0x6: {  	[smem:$0x7FF] =	sst s3;
	s17 =	sshll.u32 s1, $0x6;
	s5 =	smul.u32 $0x27100, s6  }
0x7: {  	s7 =	sshll.u32 s6, $0x4;
	s8 =	smul.u32 $0x13C000, s6;
	_ =	strace $0x8000004A  }
0x8: {  	s28 =	ssub.s32 $0x2, s6;
	p0 =	seq.s32 s6, $0x0;
	s6 =	simm.s32 $0x61  }
0x9: {  	s17 =	sor.u32 $0x1C02, s17;
	s7 =	sor.u32 s1, s7;
	s30 =	sshrl.u32 s28, $0x1  }
0xa: {  	s31 =	sshrl.u32 s11, $0x2;
	s6 =	simm.s32 @!p0 $0x3C;
	s11 =	simm.s32 $0x2  }
0xb: {  	s7 =	smul.u32 $0x680, s7;
	s10 =	sadd.s32 s5, s4;
	s26 =	sadd.s32 s9, s8  }
0xc: {  	s12 =	ssub.s32 s28, s30;
	s5 =	sshrl.u32 s26, $0x3;
	s8 =	sadd.s32 $0x1A00, s10  }
0xd: {  	s10 =	smax.u32 s12, $0x1;
	s7 =	sadd.s32 s7, s4;
	s29 =	sadd.s32 s5, s4  }
0xe: {  	s4 =	sadd.s32 $0x67A00, s7;
	s5 =	sadd.s32 $0x5AA00, s7;
	s7 =	sadd.s32 s31, s2  }
0xf: {  	v0 =	vimm.f32 $0.0e+00;
	s12 =	simm.s32 $0x3400;
	s9 =	sadd.s32 $0x74A00, s29;
	s18 =	sshrl.u32 s7, $0x3  }
.LBB2_1:
0x10: {  	[tilespmem:s3], [sflag:$0x2] =	stream.linear.gather [hbm4b:s4+s3], $0x3080, $0x38;
	[tilespmem:$0x1E800] =	vst v63  }
0x11: {  	_ =	swait.ge [sflag:s11], $0x3080  }
0x12: {  	[sflag:s11] =	ssyncset.done $0x0  }
0x13: {  	[sflag:s11] =	ssyncadd.s32 $0xFFFFCF80  }
0x14: {  	[tilespmem:s12], [sflag:$0x2] =	stream.linear.gather [hbm4b:s5+s3], $0x3080, $0x38;
	[tilespmem:$0x1E800] =	vst v63  }
0x15: {  	_ =	swait.ge [sflag:s11], $0x3080  }
0x16: {  	[sflag:s11] =	ssyncset.done $0x0  }
0x17: {  	[sflag:s11] =	ssyncadd.s32 $0xFFFFCF80  }
0x18: {  	[tilespmem:$0xA800] =	vst v0  }
0x19: {  	[tilespmem:$0xA810] =	vst v0  }
0x1a: {  	[tilespmem:$0xA820] =	vst v0  }
0x1b: {  	[tilespmem:$0xA830] =	vst v0  }
0x1c: {  	[tilespmem:$0xA840] =	vst v0  }
0x1d: {  	[tilespmem:$0xA850] =	vst v0  }
0x1e: {  	[tilespmem:$0xA860] =	vst v0  }
0x1f: {  	[tilespmem:$0xA870] =	vst v0  }
0x20: {  	[tilespmem:$0xA880] =	vst v0  }
0x21: {  	[tilespmem:$0xA890] =	vst v0  }
0x22: {  	[tilespmem:$0xA8A0] =	vst v0  }
0x23: {  	[tilespmem:$0xA8B0] =	vst v0  }
0x24: {  	[tilespmem:$0xA8C0] =	vst v0  }
0x25: {  	[tilespmem:$0xA8D0] =	vst v0  }
0x26: {  	[tilespmem:$0xA8E0] =	vst v0  }
0x27: {  	[tilespmem:$0xA8F0] =	vst v0  }
0x28: {  	[tilespmem:$0xA900] =	vst v0  }
0x29: {  	[tilespmem:$0xA910] =	vst v0  }
0x2a: {  	[tilespmem:$0xA920] =	vst v0  }
0x2b: {  	[tilespmem:$0xA930] =	vst v0  }
0x2c: {  	[tilespmem:$0xA940] =	vst v0  }
0x2d: {  	[tilespmem:$0xA950] =	vst v0  }
0x2e: {  	[tilespmem:$0xA960] =	vst v0  }
0x2f: {  	[tilespmem:$0xA970] =	vst v0  }
0x30: {  	[tilespmem:$0xA980] =	vst v0  }
0x31: {  	[tilespmem:$0xA990] =	vst v0  }
0x32: {  	[tilespmem:$0xA9A0] =	vst v0  }
0x33: {  	[tilespmem:$0xA9B0] =	vst v0  }
0x34: {  	[tilespmem:$0xA9C0] =	vst v0  }
0x35: {  	[tilespmem:$0xA9D0] =	vst v0  }
0x36: {  	[tilespmem:$0xA9E0] =	vst v0  }
0x37: {  	[tilespmem:$0xA9F0] =	vst v0  }
0x38: {  	[tilespmem:$0xAA00] =	vst v0  }
0x39: {  	[tilespmem:$0xAA10] =	vst v0  }
0x3a: {  	[tilespmem:$0xAA20] =	vst v0  }
0x3b: {  	[tilespmem:$0xAA30] =	vst v0  }
0x3c: {  	[tilespmem:$0xAA40] =	vst v0  }
0x3d: {  	[tilespmem:$0xAA50] =	vst v0  }
0x3e: {  	[tilespmem:$0xAA60] =	vst v0  }
0x3f: {  	[tilespmem:$0xAA70] =	vst v0  }
0x40: {  	[tilespmem:$0xAA80] =	vst v0  }
0x41: {  	[tilespmem:$0xAA90] =	vst v0  }
0x42: {  	[tilespmem:$0xAAA0] =	vst v0  }
0x43: {  	[tilespmem:$0xAAB0] =	vst v0  }
0x44: {  	[tilespmem:$0xAAC0] =	vst v0  }
0x45: {  	[tilespmem:$0xAAD0] =	vst v0  }
0x46: {  	[tilespmem:$0xAAE0] =	vst v0  }
0x47: {  	[tilespmem:$0xAAF0] =	vst v0  }
0x48: {  	[tilespmem:$0xAB00] =	vst v0  }
0x49: {  	[tilespmem:$0xAB10] =	vst v0  }
0x4a: {  	[tilespmem:$0xAB20] =	vst v0  }
0x4b: {  	[tilespmem:$0xAB30] =	vst v0  }
0x4c: {  	[tilespmem:$0xAB40] =	vst v0  }
0x4d: {  	[tilespmem:$0xAB50] =	vst v0  }
0x4e: {  	[tilespmem:$0xAB60] =	vst v0  }
0x4f: {  	[tilespmem:$0xAB70] =	vst v0  }
0x50: {  	[tilespmem:$0xAB80] =	vst v0  }
0x51: {  	[tilespmem:$0xAB90] =	vst v0  }
0x52: {  	[tilespmem:$0xABA0] =	vst v0  }
0x53: {  	[tilespmem:$0xABB0] =	vst v0  }
0x54: {  	[tilespmem:$0xABC0] =	vst v0  }
0x55: {  	[tilespmem:$0xABD0] =	vst v0  }
0x56: {  	[tilespmem:$0xABE0] =	vst v0  }
0x57: {  	s20 =	sadd.s32 $0x0, s7;
	[tilespmem:$0xABF0] =	vst v0  }
0x58: {  	[spmem:s20] =	stream.linear.scatter [tilespmem:s13], [sflag:$0x2], $0x400, $0x38;
	[tilespmem:$0x1E800] =	vst v63  }
0x59: {  	s20 =	simm.s32 $0x1000;
	_ =	swait.ge [sflag:s11], $0x400  }
.LBB2_2:
0x5a: {  	s21 =	sshra.s32 s20, $0x2;
	[sflag:s11] =	ssyncset.done $0x0;
	p0 =	sne.s32 s20, $0x4E000  }
.Ltmp0:
0x5b: {  	s21 =	sadd.s32 s21, s7;
	[sflag:s11] =	ssyncadd.s32 $0xFFFFFC00;
	(pc) =	sbr.rel @p0 .LBB2_2-.Ltmp0, $3  }
0x5c: {  	[spmem:s21] =	stream.linear.scatter [tilespmem:s13], [sflag:$0x2], $0x400, $0x38;
	[tilespmem:$0x1E800] =	vst v63  }
0x5d: {  	s20 =	sadd.s32 $0x1000, s20;
	_ =	sdelay $0x1  }
0x5e: {  	_ =	swait.ge [sflag:s11], $0x400  }
0x5f: {  	[sflag:s11] =	ssyncset.done $0x0  }
0x60: {  	[sflag:s11] =	ssyncadd.s32 $0xFFFFFC00  }
0x61: {  	s20 =	simm.s32 $0x0;
	[bflag:$0x0] =	sbarrier.arrive $0xFFFF  }
0x62: {  	[tilespmem:s15], [sflag:$0x1] =	stream.indirect.gather [hbm4b:s8+s14], $0x80, s20, s14, $0xb8;
	[tilespmem:$0x1E800] =	vst v63  }
0x63: {  	p0 =	sne.s32 s6, $0x1;
	_ =	swait.ge [sflag:s16], $0x4000  }
.Ltmp1:
0x64: {  	[sflag:s16] =	ssyncset.done $0x0;
	(pc) =	sbr.rel @!p0 .LBB2_5-.Ltmp1, $4  }
0x65: {  	s21 =	simm.s32 $0x3400;
	[sflag:s16] =	ssyncadd.s32 $0xFFFFC000  }
0x66: {  	[spmem:s2] =	stream.indirect.scatter.add.f32 [tilespmem:s15], [sflag:$0x2], $0x80, s21, s14, $0xb8;
	[tilespmem:$0x1E800] =	vst v63  }
0x67: {  	_ =	swait.ge [sflag:s11], $0x4000  }
0x68: {  	s22 =	sadd.s32 $0xFFFFFFFF, s6;
	[sflag:s11] =	ssyncset.done $0x0  }
.LBB2_4:
0x69: {  	[sflag:s11] =	ssyncadd.s32 $0xFFFFC000;
	s20 =	sadd.s32 $0x80, s20;
	s21 =	sadd.s32 $0x80, s21  }
0x6a: {  	[tilespmem:s15], [sflag:$0x1] =	stream.indirect.gather [hbm4b:s8+s14], $0x80, s20, s14, $0xb8;
	[tilespmem:$0x1E800] =	vst v63  }
0x6b: {  	p0 =	sne.s32 s22, $0x1;
	s22 =	sadd.s32 $0xFFFFFFFF, s22;
	_ =	swait.ge [sflag:s16], $0x4000  }
.Ltmp2:
0x6c: {  	[sflag:s16] =	ssyncset.done $0x0;
	(pc) =	sbr.rel @p0 .LBB2_4-.Ltmp2, $4  }
0x6d: {  	[sflag:s16] =	ssyncadd.s32 $0xFFFFC000  }
0x6e: {  	[spmem:s2] =	stream.indirect.scatter.add.f32 [tilespmem:s15], [sflag:$0x2], $0x80, s21, s14, $0xb8;
	[tilespmem:$0x1E800] =	vst v63  }
0x6f: {  	_ =	swait.ge [sflag:s11], $0x4000  }
0x70: {  	[sflag:s11] =	ssyncset.done $0x0  }
.LBB2_5:
0x71: {  	s19 =	sadd.s32 $0x1, s19  }
0x72: {  	[sflag:s11] =	ssyncadd.s32 $0xFFFFC000;
	p0 =	sne.s32 s19, s10  }
.Ltmp3:
0x73: {  	[bflag:$0x0] =	sbarrier.arrive $0xFFFF;
	(pc) =	sbr.rel @p0 .LBB2_1-.Ltmp3, $4  }
0x74: {  	[hbm:s9], [sflag:s17] =	dma.local [spmem:s18], $0x2780  }
0x75: {  	_ =	swait.ge [sflag:s11], $0x2780  }
0x76: {  	[sflag:s11] =	ssyncset.done $0x0  }
0x77: {  	[sflag:s11] =	ssyncadd.s32 $0xFFFFD880  }
0x78: {  	_ =	sfence.sel $0x180000  }
0x79: {  	[bflag:$0x0] =	sbarrier.arrive $0xFFFF  }
0x7a: {  	p0 =	sne.s32 s1, $0x0;
	_ =	strace $0x9000004A  }
0x7b: {  	s0 =	sadd.s32 @!p0 $0x100000, s0;
	[bflag:$0x2] =	sbarrier.arrive $0xFFFF  }
0x7c: {  	[sflag:s0] =	ssyncadd.tile.s32 @!p0 $0x1;
	_ =	shalt  }
.Lfunc_end2:
_tile_overlayer_lowered:
.L_overlay_start_2:
0x7d: {  	(tag) =	ssettag $0x2  }
0x7e: {  	s0 =	rddreg [dreg:$0x0];
	s2 =	stileid.u32  }
0x7f: {  	s1 =	rddreg [dreg:$0x1];
	p0 =	sne.s32 s2, $0x0  }
0x80: {  	s3 =	rddreg [dreg:$0x2];
	[bflag:$0x3] =	sbarrier.arrive $0xFFFF;
	s2 =	simm.s32 @!p0 $0x1C02  }
0x81: {  	[timem:s3], [sflag:s2] =	dma.local @!p0 [hbm:s0], s1  }
0x82: {  	s0 =	simm.s32 @!p0 $0x2  }
0x83: {  	_ =	swait.ge @!p0 [sflag:s0], s1  }
0x84: {  	s1 =	ssub.s32 @!p0 $0x0, s1;
	[sflag:s0] =	ssyncset.done @!p0 $0x0  }
0x85: {  	[sflag:s0] =	ssyncadd.s32 @!p0 s1  }
0x86: {  	[bflag:$0x3] =	sbarrier.arrive $0xFFFF  }
0x87: {  	_ =	shalt  }

// kernel: kernel.14.cloned.1.call-start
scs
__scs_entry_jumppad:
0x0: {  	(pc) =	sbr.rel $0x88, $3  }
0x1: {  	(tag) =	ssettag $0x0;
	lr =	simm.s32 $0x1  }
0x2: {  	[smem:$0x3F99] =	sst lr;
	_ =	strace $0xD0000000  }
0x3: {  	_ = 	snop  }
0x4: {  	_ = 	snop  }
0x5: {  	_ = 	snop  }
0x6: {  	_ = 	snop  }
0x7: {  	_ = 	snop  }
__scs_overlays_trampoline_lowered:
0x8: {  	[smem:$0x3FA8] =	sst s0  }
0x9: {  	[smem:$0x3FA9] =	sst s1  }
0xa: {  	[smem:$0x3FAA] =	sst s2  }
0xb: {  	[smem:$0x3FAB] =	sst s3  }
0xc: {  	[smem:$0x3FAC] =	sst s4  }
0xd: {  	[smem:$0x3FAD] =	sst s5  }
0xe: {  	[smem:$0x3FAE] =	sst s6  }
0xf: {  	[smem:$0x3FAF] =	sst s7  }
0x10: {  	[smem:$0x3FB0] =	sst s8  }
0x11: {  	[smem:$0x3FB1] =	sst s9;
	s0 =	simm.s32 @!p0 $0x0  }
0x12: {  	s1 =	sld [smem:$0x3F97];
	s0 =	simm.s32 @p0 $0x1  }
0x13: {  	[smem:$0x3FB2] =	sst s0;
	s0 =	simm.s32 @!p1 $0x0  }
0x14: {  	s2 =	sld [smem:$0x3F96];
	s0 =	simm.s32 @p1 $0x1  }
0x15: {  	[smem:$0x3FB3] =	sst s0;
	s0 =	simm.s32 @!p2 $0x0  }
0x16: {  	s3 =	sld [smem:$0x3FDB];
	s0 =	simm.s32 @p2 $0x1  }
0x17: {  	s4 =	simm.s32 $0x1BF5;
	[smem:$0x3FB5] =	sst s0  }
0x18: {  	s0 =	sld [smem:$0x3F98];
	_ =	swait.ge [sflag:s4], $0x0  }
0x19: {  	s7 =	sld [smem:$0x3F99]  }
0x1a: {  	s8 =	sadd.s32 $0xFFFFE003, lr  }
0x1b: {  	s9 =	sadd.s32 $0xFFFFFEF7, lr;
	s5 =	simm.s32 $0xFFFFFFFF;
	p2 =	slt.u32 s8, $0xFFFFF086  }
0x1c: {  	p1 =	slt.u32 s9, $0xF7A;
	s5 =	simm.s32 @!p2 $0x0  }
0x1d: {  	s5 =	simm.s32 @p1 $0x1;
	p0 =	seq.s32 s7, s2  }
0x1e: {  	s7 =	smul.u32 @!p0 $0xF7A, s2;
	p2 =	seq.s32 @!p0 s5, $0x0  }
0x1f: {  	s9 =	smul.u32 $0xF7A, s1;
	s8 =	simm.s32 @!p0 $0x1BF5;
	p2 =	por !p2, p0  }
0x20: {  	[sflag:s8] =	ssyncset.s32 @!p0 $0xFFFFF086;
	s6 =	sadd.s32 @!p0 s3, s7;
	s7 =	simm.s32 @!p0 $0x108  }
0x21: {  	s3 =	sadd.s32 s3, s9;
	s6 =	sadd.s32 @!p0 $0x88, s6;
	s7 =	simm.s32 @p2 $0x1082  }
0x22: {  	[simem:s7], [sflag:s8] =	dma.local @!p0 [hbm:s6], $0xF7A  }
0x23: {  	s9 =	sor.u32 $0xD0000000, s2;
	s6 =	simm.s32 $0x108;
	_ =	swait.ge @!p0 [sflag:s8], $0x0  }
0x24: {  	s3 =	sadd.s32 $0x88, s3;
	s6 =	simm.s32 @!p1 $0x1082;
	[sflag:s4] =	ssyncset.s32 $0xFFFFF086  }
0x25: {  	[simem:s6], [sflag:s4] =	dma.local [hbm:s3], $0xF7A  }
0x26: {  	[smem:$0x3F99] =	sst s1;
	(tag) =	ssettag s2;
	_ =	strace s9  }
0x27: {  	s1 =	sld [smem:$0x3FA9]  }
0x28: {  	s2 =	sld [smem:$0x3FAA]  }
0x29: {  	s4 =	sld [smem:$0x3FAC]  }
0x2a: {  	p0 =	seq.s32 s5, $0x0;
	s5 =	sld [smem:$0x3FAD]  }
0x2b: {  	s6 =	sld [smem:$0x3FAE]  }
0x2c: {  	s7 =	sld [smem:$0x3FAF]  }
0x2d: {  	s3 =	simm.s32 $0x108;
	s8 =	sld [smem:$0x3FB0]  }
0x2e: {  	s3 =	simm.s32 @!p0 $0x1082;
	s9 =	sld [smem:$0x3FB1]  }
0x2f: {  	lr =	sadd.s32 s0, s3;
	s0 =	sld [smem:$0x3FA8]  }
0x30: {  	s3 =	sld [smem:$0x3FAB]  }
0x31: {  	[smem:$0x3FB4] =	sst s10  }
0x32: {  	s10 =	sld [smem:$0x3FB2];
	_ =	sdelay $0x3  }
0x33: {  	p0 =	seq.s32 s10, $0x1;
	s10 =	sld [smem:$0x3FB4];
	_ =	sdelay $0x3  }
0x34: {  	[smem:$0x3FB4] =	sst s10  }
0x35: {  	s10 =	sld [smem:$0x3FB3];
	_ =	sdelay $0x3  }
0x36: {  	p1 =	seq.s32 s10, $0x1;
	s10 =	sld [smem:$0x3FB4];
	_ =	sdelay $0x3  }
0x37: {  	[smem:$0x3FB4] =	sst s10  }
0x38: {  	s10 =	sld [smem:$0x3FB5]  }
0x39: {  	_ = 	snop;
	(pc) =	sbr.ind lr, $3  }
0x3a: {  	_ = 	snop  }
0x3b: {  	_ = 	snop  }
0x3c: {  	p2 =	seq.s32 s10, $0x1;
	s10 =	sld [smem:$0x3FB4]  }
0x3d: {  	_ =	shalt  }
0x3e: {  	_ =	shalt  }
0x3f: {  	_ =	shalt  }
0x40: {  	_ =	shalt  }
0x41: {  	_ =	shalt  }
0x42: {  	_ =	shalt  }
0x43: {  	_ =	shalt  }
0x44: {  	_ =	shalt  }
0x45: {  	_ =	shalt  }
0x46: {  	_ =	shalt  }
0x47: {  	_ =	shalt  }
0x48: {  	_ =	shalt  }
0x49: {  	_ =	shalt  }
0x4a: {  	_ =	shalt  }
0x4b: {  	_ =	shalt  }
0x4c: {  	_ =	shalt  }
0x4d: {  	_ =	shalt  }
0x4e: {  	_ =	shalt  }
0x4f: {  	_ =	shalt  }
0x50: {  	_ =	shalt  }
0x51: {  	_ =	shalt  }
0x52: {  	_ =	shalt  }
0x53: {  	_ =	shalt  }
0x54: {  	_ =	shalt  }
0x55: {  	_ =	shalt  }
0x56: {  	_ =	shalt  }
0x57: {  	_ =	shalt  }
0x58: {  	_ =	shalt  }
0x59: {  	_ =	shalt  }
0x5a: {  	_ =	shalt  }
0x5b: {  	_ =	shalt  }
0x5c: {  	_ =	shalt  }
0x5d: {  	_ =	shalt  }
0x5e: {  	_ =	shalt  }
0x5f: {  	_ =	shalt  }
0x60: {  	_ =	shalt  }
0x61: {  	_ =	shalt  }
0x62: {  	_ =	shalt  }
0x63: {  	_ =	shalt  }
0x64: {  	_ =	shalt  }
0x65: {  	_ =	shalt  }
0x66: {  	_ =	shalt  }
0x67: {  	_ =	shalt  }
0x68: {  	_ =	shalt  }
0x69: {  	_ =	shalt  }
0x6a: {  	_ =	shalt  }
0x6b: {  	_ =	shalt  }
0x6c: {  	_ =	shalt  }
0x6d: {  	_ =	shalt  }
0x6e: {  	_ =	shalt  }
0x6f: {  	_ =	shalt  }
0x70: {  	_ =	shalt  }
0x71: {  	_ =	shalt  }
0x72: {  	_ =	shalt  }
0x73: {  	_ =	shalt  }
0x74: {  	_ =	shalt  }
0x75: {  	_ =	shalt  }
0x76: {  	_ =	shalt  }
0x77: {  	_ =	shalt  }
0x78: {  	_ =	shalt  }
0x79: {  	_ =	shalt  }
0x7a: {  	_ =	shalt  }
0x7b: {  	_ =	shalt  }
0x7c: {  	_ =	shalt  }
0x7d: {  	_ =	shalt  }
0x7e: {  	_ =	shalt  }
0x7f: {  	_ =	shalt  }
0x80: {  	_ =	shalt  }
0x81: {  	_ =	shalt  }
0x82: {  	_ =	shalt  }
0x83: {  	_ =	shalt  }
0x84: {  	_ =	shalt  }
0x85: {  	_ =	shalt  }
0x86: {  	_ =	shalt  }
0x87: {  	_ =	shalt  }
.Lfunc_end0:
.L_simem_size_0:
called_computation.2_lowered:
.L_overlay_start_0:
0x88: {  	s2 =	sld [smem:$0x3FD9]  }
0x89: {  	s3 =	sld [smem:$0x3FFE];
	_ =	sdelay $0x1  }
0x8a: {  	s1 =	srdreg.scid  }
0x8b: {  	s0 =	sand.u32 $0x1, s1  }
0x8c: {  	s16 =	sshll.u32 s0, $0xA;
	s2 =	sadd.s32 s3, s2  }
0x8d: {  	s2 =	sadd.s32 s2, s16  }
0x8e: {  	[smem:$0x3FC0] =	sst s2  }
0x8f: {  	_ = 	snop  }
0x90: {  	(tm) =	ssettm $0x1  }
0x91: {  	s17 =	sld [smem:$0x3FFB];
	_ =	sdelay $0x3  }
0x92: {  	_ =	strace s17  }
0x93: {  	s2 =	sld [smem:$0x3FFC];
	_ =	sdelay $0x3  }
0x94: {  	_ =	strace s2  }
0x95: {  	s2 =	sld [smem:$0x3FFD];
	_ =	sdelay $0x3  }
0x96: {  	_ =	strace s2  }
0x97: {  	_ =	strace $0x8FFFFFFF  }
0x98: {  	s18 =	sld [smem:$0x3FDB];
	_ =	sdelay $0x1  }
0x99: {  	s19 =	simm.s32 $_scs_section_size  }
0x9a: {  	s4 =	simm.s32 $_size__tile_overlayer_lowered;
	s5 =	simm.s32 $_tile_overlayer_lowered  }
0x9b: {  	s22 =	simm.s32 $0x1BFF;
	s21 =	sshll.u32 s5, $0x1;
	s2 =	sadd.s32 s19, s18  }
0x9c: {  	s6 =	simm.s32 $0x0;
	s20 =	sshll.u32 s4, $0x1;
	s4 =	sadd.s32 s21, s2  }
0x9d: {  	[timem:s6], [sflag:s22] =	dma.local [hbm:s4], s20  }
0x9e: {  	_ =	swait.ge [sflag:s22], s20  }
0x9f: {  	s3 =	ssub.s32 $0x0, s20;
	[sflag:s22] =	ssyncset.done $0x0  }
0xa0: {  	[sflag:s22] =	ssyncadd.s32 s3;
	_ =	sdelay $0x1  }
0xa1: {  	s23 =	simm.s32 $0x1B8B  }
0xa2: {  	_ =	swait.ge [sflag:s23], $0x1  }
0xa3: {  	[sflag:s23] =	ssyncset.done $0x0  }
0xa4: {  	s25 =	simm.s32 $0x1B8E;
	s24 =	sld [smem:$0x3FFE];
	[sflag:s23] =	ssyncadd.s32 $0xFFFFFFFF  }
0xa5: {  	s26 =	simm.s32 $execute0_lowered;
	[smem:$0x3FD2] =	sst s25  }
0xa6: {  	s4 =	sshll.u32 s26, $0x1;
	_ =	strace $0x8000004C;
	[dreg:$0x1] =	wrdreg $0xFFFFFFFF  }
0xa7: {  	s28 =	simm.s32 $_size_execute0_lowered;
	s2 =	sadd.s32 s2, s4;
	[dreg:$0x0] =	wrdreg $0x0  }
0xa8: {  	s4 =	sshll.u32 s28, $0x1;
	[dreg:$0x2] =	wrdreg s2  }
0xa9: {  	[dreg:$0x3] =	wrdreg s4  }
0xaa: {  	[dreg:$0x4] =	wrdreg $0xC0  }
0xab: {  	_ =	task [dreg:s6], $0x5FFFF  }
0xac: {  	[dreg:$0x1] =	wrdreg $0xFFFFFFFF  }
0xad: {  	[dreg:$0x0] =	wrdreg $0x60  }
0xae: {  	[dreg:$0x2] =	wrdreg s24  }
0xaf: {  	[dreg:$0x3] =	wrdreg $0xAC000  }
0xb0: {  	[dreg:$0x4] =	wrdreg $0x9  }
0xb1: {  	_ =	task.clear_ibuf [dreg:s6], $0x5FFFF;
	_ =	strace $0x9000004C  }
0xb2: {  	s29 =	simm.s32 $0x9;
	_ =	strace $0x8000004E  }
0xb3: {  	_ =	swait.ge [sflag:s29], $0x1  }
0xb4: {  	[sflag:s29] =	ssyncadd.s32 $0xFFFFFFFF  }
0xb5: {  	_ =	strace $0x9000004E  }
0xb6: {  	_ =	sfence  }
0xb7: {  	s30 =	sld [smem:$0x0];
	_ =	sdelay $0x2  }
0xb8: {  	s31 =	sshll.u32 s1, $0xD;
	s1 =	sshrl.u32 s1, $0x2  }
0xb9: {  	s3 =	sand.u32 $0x4000, s31;
	s1 =	sadd.s32 s1, s30  }
0xba: {  	s0 =	sor.u32 s3, s0;
	s1 =	sshll.u32 s1, $0x11  }
0xbb: {  	s0 =	sor.u32 s1, s0  }
0xbc: {  	s0 =	sadd.s32 $0x8F2B, s0  }
0xbd: {  	[sflag:s0] =	ssyncadd.remote.s32 $0x1  }
0xbe: {  	_ =	sfence.sel $0xFFFF  }
0xbf: {  	[dreg:$0x0] =	wrdreg $0xFFFFFFFF;
	(pc) =	sbr.abs _section_cstart, $3  }
0xc0: {  	[dreg:$0x1] =	wrdreg $0xFFFFFFFF  }
0xc1: {  	_ =	task.clear_ibuf [dreg:s6], $0x2FFFF;
	_ =	strace $0x9FFFFFFF  }
0xc2: {  	(tm) =	ssettm $0x7FFFFFFF  }
0xc3: {  	_ =	shalt  }
tec
execute0_lowered:
.L_overlay_start_1:
0x0: {  	(tag) =	ssettag $0x1  }
0x1: {  	s4 =	rddreg [dreg:$0x0];
	s0 =	srdreg.scid  }
0x2: {  	s2 =	rddreg [dreg:$0x1];
	s1 =	stileid.u32;
	s3 =	simm.s32 $0x0  }
0x3: {  	s13 =	simm.s32 $0xA800;
	s14 =	simm.s32 $0x80;
	s15 =	simm.s32 $0x6800  }
0x4: {  	s16 =	simm.s32 $0x1;
	s19 =	simm.s32 $0x0;
	s9 =	smul.u32 $0x13C00, s1  }
0x5: {  	s6 =	sand.u32 $0x1, s0;
	s0 =	rddreg [dreg:$0x2];
	s11 =	smul.u32 $0x4F000, s1  }
0x6: {  	[smem:$0x7FF] =	sst s3;
	s17 =	sshll.u32 s1, $0x6;
	s5 =	smul.u32 $0x27100, s6  }
0x7: {  	s7 =	sshll.u32 s6, $0x4;
	s8 =	smul.u32 $0x13C000, s6;
	_ =	strace $0x8000004D  }
0x8: {  	s28 =	ssub.s32 $0x2, s6;
	p0 =	seq.s32 s6, $0x0;
	s6 =	simm.s32 $0x61  }
0x9: {  	s17 =	sor.u32 $0x1C02, s17;
	s7 =	sor.u32 s1, s7;
	s30 =	sshrl.u32 s28, $0x1  }
0xa: {  	s31 =	sshrl.u32 s11, $0x2;
	s6 =	simm.s32 @!p0 $0x3C;
	s11 =	simm.s32 $0x2  }
0xb: {  	s7 =	smul.u32 $0x680, s7;
	s10 =	sadd.s32 s5, s4;
	s26 =	sadd.s32 s9, s8  }
0xc: {  	s12 =	ssub.s32 s28, s30;
	s5 =	sshrl.u32 s26, $0x3;
	s8 =	sadd.s32 $0x1A00, s10  }
0xd: {  	s10 =	smax.u32 s12, $0x1;
	s7 =	sadd.s32 s7, s4;
	s29 =	sadd.s32 s5, s4  }
0xe: {  	s4 =	sadd.s32 $0x67A00, s7;
	s5 =	sadd.s32 $0x5AA00, s7;
	s7 =	sadd.s32 s31, s2  }
0xf: {  	v0 =	vimm.f32 $0.0e+00;
	s12 =	simm.s32 $0x3400;
	s9 =	sadd.s32 $0x74A00, s29;
	s18 =	sshrl.u32 s7, $0x3  }
.LBB2_1:
0x10: {  	[tilespmem:s3], [sflag:$0x2] =	stream.linear.gather [hbm4b:s4+s3], $0x3080, $0x38;
	[tilespmem:$0x1E800] =	vst v63  }
0x11: {  	_ =	swait.ge [sflag:s11], $0x3080  }
0x12: {  	[sflag:s11] =	ssyncset.done $0x0  }
0x13: {  	[sflag:s11] =	ssyncadd.s32 $0xFFFFCF80  }
0x14: {  	[tilespmem:s12], [sflag:$0x2] =	stream.linear.gather [hbm4b:s5+s3], $0x3080, $0x38;
	[tilespmem:$0x1E800] =	vst v63  }
0x15: {  	_ =	swait.ge [sflag:s11], $0x3080  }
0x16: {  	[sflag:s11] =	ssyncset.done $0x0  }
0x17: {  	[sflag:s11] =	ssyncadd.s32 $0xFFFFCF80  }
0x18: {  	[tilespmem:$0xA800] =	vst v0  }
0x19: {  	[tilespmem:$0xA810] =	vst v0  }
0x1a: {  	[tilespmem:$0xA820] =	vst v0  }
0x1b: {  	[tilespmem:$0xA830] =	vst v0  }
0x1c: {  	[tilespmem:$0xA840] =	vst v0  }
0x1d: {  	[tilespmem:$0xA850] =	vst v0  }
0x1e: {  	[tilespmem:$0xA860] =	vst v0  }
0x1f: {  	[tilespmem:$0xA870] =	vst v0  }
0x20: {  	[tilespmem:$0xA880] =	vst v0  }
0x21: {  	[tilespmem:$0xA890] =	vst v0  }
0x22: {  	[tilespmem:$0xA8A0] =	vst v0  }
0x23: {  	[tilespmem:$0xA8B0] =	vst v0  }
0x24: {  	[tilespmem:$0xA8C0] =	vst v0  }
0x25: {  	[tilespmem:$0xA8D0] =	vst v0  }
0x26: {  	[tilespmem:$0xA8E0] =	vst v0  }
0x27: {  	[tilespmem:$0xA8F0] =	vst v0  }
0x28: {  	[tilespmem:$0xA900] =	vst v0  }
0x29: {  	[tilespmem:$0xA910] =	vst v0  }
0x2a: {  	[tilespmem:$0xA920] =	vst v0  }
0x2b: {  	[tilespmem:$0xA930] =	vst v0  }
0x2c: {  	[tilespmem:$0xA940] =	vst v0  }
0x2d: {  	[tilespmem:$0xA950] =	vst v0  }
0x2e: {  	[tilespmem:$0xA960] =	vst v0  }
0x2f: {  	[tilespmem:$0xA970] =	vst v0  }
0x30: {  	[tilespmem:$0xA980] =	vst v0  }
0x31: {  	[tilespmem:$0xA990] =	vst v0  }
0x32: {  	[tilespmem:$0xA9A0] =	vst v0  }
0x33: {  	[tilespmem:$0xA9B0] =	vst v0  }
0x34: {  	[tilespmem:$0xA9C0] =	vst v0  }
0x35: {  	[tilespmem:$0xA9D0] =	vst v0  }
0x36: {  	[tilespmem:$0xA9E0] =	vst v0  }
0x37: {  	[tilespmem:$0xA9F0] =	vst v0  }
0x38: {  	[tilespmem:$0xAA00] =	vst v0  }
0x39: {  	[tilespmem:$0xAA10] =	vst v0  }
0x3a: {  	[tilespmem:$0xAA20] =	vst v0  }
0x3b: {  	[tilespmem:$0xAA30] =	vst v0  }
0x3c: {  	[tilespmem:$0xAA40] =	vst v0  }
0x3d: {  	[tilespmem:$0xAA50] =	vst v0  }
0x3e: {  	[tilespmem:$0xAA60] =	vst v0  }
0x3f: {  	[tilespmem:$0xAA70] =	vst v0  }
0x40: {  	[tilespmem:$0xAA80] =	vst v0  }
0x41: {  	[tilespmem:$0xAA90] =	vst v0  }
0x42: {  	[tilespmem:$0xAAA0] =	vst v0  }
0x43: {  	[tilespmem:$0xAAB0] =	vst v0  }
0x44: {  	[tilespmem:$0xAAC0] =	vst v0  }
0x45: {  	[tilespmem:$0xAAD0] =	vst v0  }
0x46: {  	[tilespmem:$0xAAE0] =	vst v0  }
0x47: {  	[tilespmem:$0xAAF0] =	vst v0  }
0x48: {  	[tilespmem:$0xAB00] =	vst v0  }
0x49: {  	[tilespmem:$0xAB10] =	vst v0  }
0x4a: {  	[tilespmem:$0xAB20] =	vst v0  }
0x4b: {  	[tilespmem:$0xAB30] =	vst v0  }
0x4c: {  	[tilespmem:$0xAB40] =	vst v0  }
0x4d: {  	[tilespmem:$0xAB50] =	vst v0  }
0x4e: {  	[tilespmem:$0xAB60] =	vst v0  }
0x4f: {  	[tilespmem:$0xAB70] =	vst v0  }
0x50: {  	[tilespmem:$0xAB80] =	vst v0  }
0x51: {  	[tilespmem:$0xAB90] =	vst v0  }
0x52: {  	[tilespmem:$0xABA0] =	vst v0  }
0x53: {  	[tilespmem:$0xABB0] =	vst v0  }
0x54: {  	[tilespmem:$0xABC0] =	vst v0  }
0x55: {  	[tilespmem:$0xABD0] =	vst v0  }
0x56: {  	[tilespmem:$0xABE0] =	vst v0  }
0x57: {  	s20 =	sadd.s32 $0x0, s7;
	[tilespmem:$0xABF0] =	vst v0  }
0x58: {  	[spmem:s20] =	stream.linear.scatter [tilespmem:s13], [sflag:$0x2], $0x400, $0x38;
	[tilespmem:$0x1E800] =	vst v63  }
0x59: {  	s20 =	simm.s32 $0x1000;
	_ =	swait.ge [sflag:s11], $0x400  }
.LBB2_2:
0x5a: {  	s21 =	sshra.s32 s20, $0x2;
	[sflag:s11] =	ssyncset.done $0x0;
	p0 =	sne.s32 s20, $0x4E000  }
.Ltmp0:
0x5b: {  	s21 =	sadd.s32 s21, s7;
	[sflag:s11] =	ssyncadd.s32 $0xFFFFFC00;
	(pc) =	sbr.rel @p0 .LBB2_2-.Ltmp0, $3  }
0x5c: {  	[spmem:s21] =	stream.linear.scatter [tilespmem:s13], [sflag:$0x2], $0x400, $0x38;
	[tilespmem:$0x1E800] =	vst v63  }
0x5d: {  	s20 =	sadd.s32 $0x1000, s20;
	_ =	sdelay $0x1  }
0x5e: {  	_ =	swait.ge [sflag:s11], $0x400  }
0x5f: {  	[sflag:s11] =	ssyncset.done $0x0  }
0x60: {  	[sflag:s11] =	ssyncadd.s32 $0xFFFFFC00  }
0x61: {  	s20 =	simm.s32 $0x0;
	[bflag:$0x0] =	sbarrier.arrive $0xFFFF  }
0x62: {  	[tilespmem:s15], [sflag:$0x1] =	stream.indirect.gather [hbm4b:s8+s14], $0x80, s20, s14, $0xb8;
	[tilespmem:$0x1E800] =	vst v63  }
0x63: {  	p0 =	sne.s32 s6, $0x1;
	_ =	swait.ge [sflag:s16], $0x4000  }
.Ltmp1:
0x64: {  	[sflag:s16] =	ssyncset.done $0x0;
	(pc) =	sbr.rel @!p0 .LBB2_5-.Ltmp1, $4  }
0x65: {  	s21 =	simm.s32 $0x3400;
	[sflag:s16] =	ssyncadd.s32 $0xFFFFC000  }
0x66: {  	[spmem:s2] =	stream.indirect.scatter.add.f32 [tilespmem:s15], [sflag:$0x2], $0x80, s21, s14, $0xb8;
	[tilespmem:$0x1E800] =	vst v63  }
0x67: {  	_ =	swait.ge [sflag:s11], $0x4000  }
0x68: {  	s22 =	sadd.s32 $0xFFFFFFFF, s6;
	[sflag:s11] =	ssyncset.done $0x0  }
.LBB2_4:
0x69: {  	[sflag:s11] =	ssyncadd.s32 $0xFFFFC000;
	s20 =	sadd.s32 $0x80, s20;
	s21 =	sadd.s32 $0x80, s21  }
0x6a: {  	[tilespmem:s15], [sflag:$0x1] =	stream.indirect.gather [hbm4b:s8+s14], $0x80, s20, s14, $0xb8;
	[tilespmem:$0x1E800] =	vst v63  }
0x6b: {  	p0 =	sne.s32 s22, $0x1;
	s22 =	sadd.s32 $0xFFFFFFFF, s22;
	_ =	swait.ge [sflag:s16], $0x4000  }
.Ltmp2:
0x6c: {  	[sflag:s16] =	ssyncset.done $0x0;
	(pc) =	sbr.rel @p0 .LBB2_4-.Ltmp2, $4  }
0x6d: {  	[sflag:s16] =	ssyncadd.s32 $0xFFFFC000  }
0x6e: {  	[spmem:s2] =	stream.indirect.scatter.add.f32 [tilespmem:s15], [sflag:$0x2], $0x80, s21, s14, $0xb8;
	[tilespmem:$0x1E800] =	vst v63  }
0x6f: {  	_ =	swait.ge [sflag:s11], $0x4000  }
0x70: {  	[sflag:s11] =	ssyncset.done $0x0  }
.LBB2_5:
0x71: {  	s19 =	sadd.s32 $0x1, s19  }
0x72: {  	[sflag:s11] =	ssyncadd.s32 $0xFFFFC000;
	p0 =	sne.s32 s19, s10  }
.Ltmp3:
0x73: {  	[bflag:$0x0] =	sbarrier.arrive $0xFFFF;
	(pc) =	sbr.rel @p0 .LBB2_1-.Ltmp3, $4  }
0x74: {  	[hbm:s9], [sflag:s17] =	dma.local [spmem:s18], $0x2780  }
0x75: {  	_ =	swait.ge [sflag:s11], $0x2780  }
0x76: {  	[sflag:s11] =	ssyncset.done $0x0  }
0x77: {  	[sflag:s11] =	ssyncadd.s32 $0xFFFFD880  }
0x78: {  	_ =	sfence.sel $0x180000  }
0x79: {  	[bflag:$0x0] =	sbarrier.arrive $0xFFFF  }
0x7a: {  	p0 =	sne.s32 s1, $0x0;
	_ =	strace $0x9000004D  }
0x7b: {  	s0 =	sadd.s32 @!p0 $0x100000, s0;
	[bflag:$0x2] =	sbarrier.arrive $0xFFFF  }
0x7c: {  	[sflag:s0] =	ssyncadd.tile.s32 @!p0 $0x1;
	_ =	shalt  }
.Lfunc_end2:
_tile_overlayer_lowered:
.L_overlay_start_2:
0x7d: {  	(tag) =	ssettag $0x2  }
0x7e: {  	s0 =	rddreg [dreg:$0x0];
	s2 =	stileid.u32  }
0x7f: {  	s1 =	rddreg [dreg:$0x1];
	p0 =	sne.s32 s2, $0x0  }
0x80: {  	s3 =	rddreg [dreg:$0x2];
	[bflag:$0x3] =	sbarrier.arrive $0xFFFF;
	s2 =	simm.s32 @!p0 $0x1C02  }
0x81: {  	[timem:s3], [sflag:s2] =	dma.local @!p0 [hbm:s0], s1  }
0x82: {  	s0 =	simm.s32 @!p0 $0x2  }
0x83: {  	_ =	swait.ge @!p0 [sflag:s0], s1  }
0x84: {  	s1 =	ssub.s32 @!p0 $0x0, s1;
	[sflag:s0] =	ssyncset.done @!p0 $0x0  }
0x85: {  	[sflag:s0] =	ssyncadd.s32 @!p0 s1  }
0x86: {  	[bflag:$0x3] =	sbarrier.arrive $0xFFFF  }
0x87: {  	_ =	shalt  }

// kernel: kernel.8.cloned.1.call-start
scs
__scs_entry_jumppad:
0x0: {  	(pc) =	sbr.rel $0x88, $3  }
0x1: {  	(tag) =	ssettag $0x0;
	lr =	simm.s32 $0x1  }
0x2: {  	[smem:$0x3F99] =	sst lr;
	_ =	strace $0xD0000000  }
0x3: {  	_ = 	snop  }
0x4: {  	_ = 	snop  }
0x5: {  	_ = 	snop  }
0x6: {  	_ = 	snop  }
0x7: {  	_ = 	snop  }
__scs_overlays_trampoline_lowered:
0x8: {  	[smem:$0x3FA8] =	sst s0  }
0x9: {  	[smem:$0x3FA9] =	sst s1  }
0xa: {  	[smem:$0x3FAA] =	sst s2  }
0xb: {  	[smem:$0x3FAB] =	sst s3  }
0xc: {  	[smem:$0x3FAC] =	sst s4  }
0xd: {  	[smem:$0x3FAD] =	sst s5  }
0xe: {  	[smem:$0x3FAE] =	sst s6  }
0xf: {  	[smem:$0x3FAF] =	sst s7  }
0x10: {  	[smem:$0x3FB0] =	sst s8  }
0x11: {  	[smem:$0x3FB1] =	sst s9;
	s0 =	simm.s32 @!p0 $0x0  }
0x12: {  	s1 =	sld [smem:$0x3F97];
	s0 =	simm.s32 @p0 $0x1  }
0x13: {  	[smem:$0x3FB2] =	sst s0;
	s0 =	simm.s32 @!p1 $0x0  }
0x14: {  	s2 =	sld [smem:$0x3F96];
	s0 =	simm.s32 @p1 $0x1  }
0x15: {  	[smem:$0x3FB3] =	sst s0;
	s0 =	simm.s32 @!p2 $0x0  }
0x16: {  	s3 =	sld [smem:$0x3FDB];
	s0 =	simm.s32 @p2 $0x1  }
0x17: {  	s4 =	simm.s32 $0x1BF5;
	[smem:$0x3FB5] =	sst s0  }
0x18: {  	s0 =	sld [smem:$0x3F98];
	_ =	swait.ge [sflag:s4], $0x0  }
0x19: {  	s7 =	sld [smem:$0x3F99]  }
0x1a: {  	s8 =	sadd.s32 $0xFFFFE003, lr  }
0x1b: {  	s9 =	sadd.s32 $0xFFFFFEF7, lr;
	s5 =	simm.s32 $0xFFFFFFFF;
	p2 =	slt.u32 s8, $0xFFFFF086  }
0x1c: {  	p1 =	slt.u32 s9, $0xF7A;
	s5 =	simm.s32 @!p2 $0x0  }
0x1d: {  	s5 =	simm.s32 @p1 $0x1;
	p0 =	seq.s32 s7, s2  }
0x1e: {  	s7 =	smul.u32 @!p0 $0xF7A, s2;
	p2 =	seq.s32 @!p0 s5, $0x0  }
0x1f: {  	s9 =	smul.u32 $0xF7A, s1;
	s8 =	simm.s32 @!p0 $0x1BF5;
	p2 =	por !p2, p0  }
0x20: {  	[sflag:s8] =	ssyncset.s32 @!p0 $0xFFFFF086;
	s6 =	sadd.s32 @!p0 s3, s7;
	s7 =	simm.s32 @!p0 $0x108  }
0x21: {  	s3 =	sadd.s32 s3, s9;
	s6 =	sadd.s32 @!p0 $0x88, s6;
	s7 =	simm.s32 @p2 $0x1082  }
0x22: {  	[simem:s7], [sflag:s8] =	dma.local @!p0 [hbm:s6], $0xF7A  }
0x23: {  	s9 =	sor.u32 $0xD0000000, s2;
	s6 =	simm.s32 $0x108;
	_ =	swait.ge @!p0 [sflag:s8], $0x0  }
0x24: {  	s3 =	sadd.s32 $0x88, s3;
	s6 =	simm.s32 @!p1 $0x1082;
	[sflag:s4] =	ssyncset.s32 $0xFFFFF086  }
0x25: {  	[simem:s6], [sflag:s4] =	dma.local [hbm:s3], $0xF7A  }
0x26: {  	[smem:$0x3F99] =	sst s1;
	(tag) =	ssettag s2;
	_ =	strace s9  }
0x27: {  	s1 =	sld [smem:$0x3FA9]  }
0x28: {  	s2 =	sld [smem:$0x3FAA]  }
0x29: {  	s4 =	sld [smem:$0x3FAC]  }
0x2a: {  	p0 =	seq.s32 s5, $0x0;
	s5 =	sld [smem:$0x3FAD]  }
0x2b: {  	s6 =	sld [smem:$0x3FAE]  }
0x2c: {  	s7 =	sld [smem:$0x3FAF]  }
0x2d: {  	s3 =	simm.s32 $0x108;
	s8 =	sld [smem:$0x3FB0]  }
0x2e: {  	s3 =	simm.s32 @!p0 $0x1082;
	s9 =	sld [smem:$0x3FB1]  }
0x2f: {  	lr =	sadd.s32 s0, s3;
	s0 =	sld [smem:$0x3FA8]  }
0x30: {  	s3 =	sld [smem:$0x3FAB]  }
0x31: {  	[smem:$0x3FB4] =	sst s10  }
0x32: {  	s10 =	sld [smem:$0x3FB2];
	_ =	sdelay $0x3  }
0x33: {  	p0 =	seq.s32 s10, $0x1;
	s10 =	sld [smem:$0x3FB4];
	_ =	sdelay $0x3  }
0x34: {  	[smem:$0x3FB4] =	sst s10  }
0x35: {  	s10 =	sld [smem:$0x3FB3];
	_ =	sdelay $0x3  }
0x36: {  	p1 =	seq.s32 s10, $0x1;
	s10 =	sld [smem:$0x3FB4];
	_ =	sdelay $0x3  }
0x37: {  	[smem:$0x3FB4] =	sst s10  }
0x38: {  	s10 =	sld [smem:$0x3FB5]  }
0x39: {  	_ = 	snop;
	(pc) =	sbr.ind lr, $3  }
0x3a: {  	_ = 	snop  }
0x3b: {  	_ = 	snop  }
0x3c: {  	p2 =	seq.s32 s10, $0x1;
	s10 =	sld [smem:$0x3FB4]  }
0x3d: {  	_ =	shalt  }
0x3e: {  	_ =	shalt  }
0x3f: {  	_ =	shalt  }
0x40: {  	_ =	shalt  }
0x41: {  	_ =	shalt  }
0x42: {  	_ =	shalt  }
0x43: {  	_ =	shalt  }
0x44: {  	_ =	shalt  }
0x45: {  	_ =	shalt  }
0x46: {  	_ =	shalt  }
0x47: {  	_ =	shalt  }
0x48: {  	_ =	shalt  }
0x49: {  	_ =	shalt  }
0x4a: {  	_ =	shalt  }
0x4b: {  	_ =	shalt  }
0x4c: {  	_ =	shalt  }
0x4d: {  	_ =	shalt  }
0x4e: {  	_ =	shalt  }
0x4f: {  	_ =	shalt  }
0x50: {  	_ =	shalt  }
0x51: {  	_ =	shalt  }
0x52: {  	_ =	shalt  }
0x53: {  	_ =	shalt  }
0x54: {  	_ =	shalt  }
0x55: {  	_ =	shalt  }
0x56: {  	_ =	shalt  }
0x57: {  	_ =	shalt  }
0x58: {  	_ =	shalt  }
0x59: {  	_ =	shalt  }
0x5a: {  	_ =	shalt  }
0x5b: {  	_ =	shalt  }
0x5c: {  	_ =	shalt  }
0x5d: {  	_ =	shalt  }
0x5e: {  	_ =	shalt  }
0x5f: {  	_ =	shalt  }
0x60: {  	_ =	shalt  }
0x61: {  	_ =	shalt  }
0x62: {  	_ =	shalt  }
0x63: {  	_ =	shalt  }
0x64: {  	_ =	shalt  }
0x65: {  	_ =	shalt  }
0x66: {  	_ =	shalt  }
0x67: {  	_ =	shalt  }
0x68: {  	_ =	shalt  }
0x69: {  	_ =	shalt  }
0x6a: {  	_ =	shalt  }
0x6b: {  	_ =	shalt  }
0x6c: {  	_ =	shalt  }
0x6d: {  	_ =	shalt  }
0x6e: {  	_ =	shalt  }
0x6f: {  	_ =	shalt  }
0x70: {  	_ =	shalt  }
0x71: {  	_ =	shalt  }
0x72: {  	_ =	shalt  }
0x73: {  	_ =	shalt  }
0x74: {  	_ =	shalt  }
0x75: {  	_ =	shalt  }
0x76: {  	_ =	shalt  }
0x77: {  	_ =	shalt  }
0x78: {  	_ =	shalt  }
0x79: {  	_ =	shalt  }
0x7a: {  	_ =	shalt  }
0x7b: {  	_ =	shalt  }
0x7c: {  	_ =	shalt  }
0x7d: {  	_ =	shalt  }
0x7e: {  	_ =	shalt  }
0x7f: {  	_ =	shalt  }
0x80: {  	_ =	shalt  }
0x81: {  	_ =	shalt  }
0x82: {  	_ =	shalt  }
0x83: {  	_ =	shalt  }
0x84: {  	_ =	shalt  }
0x85: {  	_ =	shalt  }
0x86: {  	_ =	shalt  }
0x87: {  	_ =	shalt  }
.Lfunc_end0:
.L_simem_size_0:
called_computation_lowered:
.L_overlay_start_0:
0x88: {  	s2 =	sld [smem:$0x3FD9]  }
0x89: {  	s3 =	sld [smem:$0x3FFE];
	_ =	sdelay $0x1  }
0x8a: {  	s1 =	srdreg.scid  }
0x8b: {  	s0 =	sand.u32 $0x1, s1  }
0x8c: {  	s16 =	sshll.u32 s0, $0xA;
	s2 =	sadd.s32 s3, s2  }
0x8d: {  	s2 =	sadd.s32 s2, s16  }
0x8e: {  	[smem:$0x3FC0] =	sst s2  }
0x8f: {  	_ = 	snop  }
0x90: {  	(tm) =	ssettm $0x1  }
0x91: {  	s17 =	sld [smem:$0x3FFB];
	_ =	sdelay $0x3  }
0x92: {  	_ =	strace s17  }
0x93: {  	s2 =	sld [smem:$0x3FFC];
	_ =	sdelay $0x3  }
0x94: {  	_ =	strace s2  }
0x95: {  	s2 =	sld [smem:$0x3FFD];
	_ =	sdelay $0x3  }
0x96: {  	_ =	strace s2  }
0x97: {  	_ =	strace $0x8FFFFFFF  }
0x98: {  	s18 =	sld [smem:$0x3FDB];
	_ =	sdelay $0x1  }
0x99: {  	s19 =	simm.s32 $_scs_section_size  }
0x9a: {  	s4 =	simm.s32 $_size__tile_overlayer_lowered;
	s5 =	simm.s32 $_tile_overlayer_lowered  }
0x9b: {  	s22 =	simm.s32 $0x1BFF;
	s21 =	sshll.u32 s5, $0x1;
	s2 =	sadd.s32 s19, s18  }
0x9c: {  	s6 =	simm.s32 $0x0;
	s20 =	sshll.u32 s4, $0x1;
	s4 =	sadd.s32 s21, s2  }
0x9d: {  	[timem:s6], [sflag:s22] =	dma.local [hbm:s4], s20  }
0x9e: {  	_ =	swait.ge [sflag:s22], s20  }
0x9f: {  	s3 =	ssub.s32 $0x0, s20;
	[sflag:s22] =	ssyncset.done $0x0  }
0xa0: {  	[sflag:s22] =	ssyncadd.s32 s3;
	_ =	sdelay $0x1  }
0xa1: {  	s23 =	simm.s32 $0x1B8B  }
0xa2: {  	_ =	swait.ge [sflag:s23], $0x1  }
0xa3: {  	[sflag:s23] =	ssyncset.done $0x0  }
0xa4: {  	s25 =	simm.s32 $0x1B8E;
	s24 =	sld [smem:$0x3FFE];
	[sflag:s23] =	ssyncadd.s32 $0xFFFFFFFF  }
0xa5: {  	s26 =	simm.s32 $execute0_lowered;
	[smem:$0x3FD2] =	sst s25  }
0xa6: {  	s4 =	sshll.u32 s26, $0x1;
	_ =	strace $0x80000046;
	[dreg:$0x1] =	wrdreg $0xFFFFFFFF  }
0xa7: {  	s28 =	simm.s32 $_size_execute0_lowered;
	s2 =	sadd.s32 s2, s4;
	[dreg:$0x0] =	wrdreg $0x0  }
0xa8: {  	s4 =	sshll.u32 s28, $0x1;
	[dreg:$0x2] =	wrdreg s2  }
0xa9: {  	[dreg:$0x3] =	wrdreg s4  }
0xaa: {  	[dreg:$0x4] =	wrdreg $0xC0  }
0xab: {  	_ =	task [dreg:s6], $0x5FFFF  }
0xac: {  	[dreg:$0x1] =	wrdreg $0xFFFFFFFF  }
0xad: {  	[dreg:$0x0] =	wrdreg $0x60  }
0xae: {  	[dreg:$0x2] =	wrdreg s24  }
0xaf: {  	[dreg:$0x3] =	wrdreg $0x6C000  }
0xb0: {  	[dreg:$0x4] =	wrdreg $0x9  }
0xb1: {  	_ =	task.clear_ibuf [dreg:s6], $0x5FFFF;
	_ =	strace $0x90000046  }
0xb2: {  	s29 =	simm.s32 $0x9;
	_ =	strace $0x80000048  }
0xb3: {  	_ =	swait.ge [sflag:s29], $0x1  }
0xb4: {  	[sflag:s29] =	ssyncadd.s32 $0xFFFFFFFF  }
0xb5: {  	_ =	strace $0x90000048  }
0xb6: {  	_ =	sfence  }
0xb7: {  	s30 =	sld [smem:$0x0];
	_ =	sdelay $0x2  }
0xb8: {  	s31 =	sshll.u32 s1, $0xD;
	s1 =	sshrl.u32 s1, $0x2  }
0xb9: {  	s3 =	sand.u32 $0x4000, s31;
	s1 =	sadd.s32 s1, s30  }
0xba: {  	s0 =	sor.u32 s3, s0;
	s1 =	sshll.u32 s1, $0x11  }
0xbb: {  	s0 =	sor.u32 s1, s0  }
0xbc: {  	s0 =	sadd.s32 $0x8F2B, s0  }
0xbd: {  	[sflag:s0] =	ssyncadd.remote.s32 $0x1  }
0xbe: {  	_ =	sfence.sel $0xFFFF  }
0xbf: {  	[dreg:$0x0] =	wrdreg $0xFFFFFFFF;
	(pc) =	sbr.abs _section_cstart, $3  }
0xc0: {  	[dreg:$0x1] =	wrdreg $0xFFFFFFFF  }
0xc1: {  	_ =	task.clear_ibuf [dreg:s6], $0x2FFFF;
	_ =	strace $0x9FFFFFFF  }
0xc2: {  	(tm) =	ssettm $0x7FFFFFFF  }
0xc3: {  	_ =	shalt  }
tec
execute0_lowered:
.L_overlay_start_1:
0x0: {  	(tag) =	ssettag $0x1  }
0x1: {  	s4 =	rddreg [dreg:$0x0]  }
0x2: {  	s1 =	rddreg [dreg:$0x1]  }
0x3: {  	s2 =	srdreg.scid;
	s0 =	rddreg [dreg:$0x2];
	s3 =	simm.s32 $0x0  }
0x4: {  	s10 =	simm.s32 $0x80;
	s11 =	simm.s32 $0x2800;
	s5 =	sand.u32 $0x1, s2  }
0x5: {  	s14 =	simm.s32 $0x0;
	s2 =	stileid.u32;
	s7 =	smul.u32 $0x13C000, s5  }
0x6: {  	[smem:$0x7FF] =	sst s3;
	s6 =	sshll.u32 s5, $0x4;
	s8 =	smul.u32 $0x13C00, s2  }
0x7: {  	_ =	strace $0x80000047;
	s5 =	ssub.s32 $0x2, s5;
	s30 =	smul.u32 $0x4F000, s2  }
0x8: {  	s12 =	sshll.u32 s2, $0x6;
	s6 =	sor.u32 s2, s6;
	s9 =	sshrl.u32 s5, $0x1  }
0x9: {  	s12 =	sor.u32 $0x1C01, s12;
	s6 =	smul.u32 $0x500, s6;
	s7 =	sadd.s32 s8, s7  }
0xa: {  	s9 =	ssub.s32 s5, s9;
	s31 =	sshrl.u32 s30, $0x2;
	s8 =	simm.s32 $0x1  }
0xb: {  	s7 =	sshrl.u32 s7, $0x3;
	s5 =	sadd.s32 s31, s1;
	s6 =	sadd.s32 s6, s4  }
0xc: {  	s7 =	sadd.s32 s7, s4;
	s13 =	sshrl.u32 s5, $0x3;
	s4 =	sadd.s32 $0x1A00, s6  }
0xd: {  	v0 =	vimm.f32 $0.0e+00;
	v1 =	vimm.f32 $1.000000000e+00;
	s6 =	sadd.s32 $0xBA00, s7;
	s7 =	smax.u32 s9, $0x1;
	s9 =	simm.s32 $0x6800  }
.LBB2_1:
0xe: {  	[tilespmem:s3], [sflag:$0x1] =	stream.linear.gather [hbm4b:s4+s3], $0x2780, $0x38;
	[tilespmem:$0x1A800] =	vst v63  }
0xf: {  	_ =	swait.ge [sflag:s8], $0x2780  }
0x10: {  	[sflag:s8] =	ssyncset.done $0x0  }
0x11: {  	[sflag:s8] =	ssyncadd.s32 $0xFFFFD880  }
0x12: {  	[tilespmem:$0x6800] =	vst v0  }
0x13: {  	[tilespmem:$0x6810] =	vst v0  }
0x14: {  	[tilespmem:$0x6820] =	vst v0  }
0x15: {  	[tilespmem:$0x6830] =	vst v0  }
0x16: {  	[tilespmem:$0x6840] =	vst v0  }
0x17: {  	[tilespmem:$0x6850] =	vst v0  }
0x18: {  	[tilespmem:$0x6860] =	vst v0  }
0x19: {  	[tilespmem:$0x6870] =	vst v0  }
0x1a: {  	[tilespmem:$0x6880] =	vst v0  }
0x1b: {  	[tilespmem:$0x6890] =	vst v0  }
0x1c: {  	[tilespmem:$0x68A0] =	vst v0  }
0x1d: {  	[tilespmem:$0x68B0] =	vst v0  }
0x1e: {  	[tilespmem:$0x68C0] =	vst v0  }
0x1f: {  	[tilespmem:$0x68D0] =	vst v0  }
0x20: {  	[tilespmem:$0x68E0] =	vst v0  }
0x21: {  	[tilespmem:$0x68F0] =	vst v0  }
0x22: {  	[tilespmem:$0x6900] =	vst v0  }
0x23: {  	[tilespmem:$0x6910] =	vst v0  }
0x24: {  	[tilespmem:$0x6920] =	vst v0  }
0x25: {  	[tilespmem:$0x6930] =	vst v0  }
0x26: {  	[tilespmem:$0x6940] =	vst v0  }
0x27: {  	[tilespmem:$0x6950] =	vst v0  }
0x28: {  	[tilespmem:$0x6960] =	vst v0  }
0x29: {  	[tilespmem:$0x6970] =	vst v0  }
0x2a: {  	[tilespmem:$0x6980] =	vst v0  }
0x2b: {  	[tilespmem:$0x6990] =	vst v0  }
0x2c: {  	[tilespmem:$0x69A0] =	vst v0  }
0x2d: {  	[tilespmem:$0x69B0] =	vst v0  }
0x2e: {  	[tilespmem:$0x69C0] =	vst v0  }
0x2f: {  	[tilespmem:$0x69D0] =	vst v0  }
0x30: {  	[tilespmem:$0x69E0] =	vst v0  }
0x31: {  	[tilespmem:$0x69F0] =	vst v0  }
0x32: {  	[tilespmem:$0x6A00] =	vst v0  }
0x33: {  	[tilespmem:$0x6A10] =	vst v0  }
0x34: {  	[tilespmem:$0x6A20] =	vst v0  }
0x35: {  	[tilespmem:$0x6A30] =	vst v0  }
0x36: {  	[tilespmem:$0x6A40] =	vst v0  }
0x37: {  	[tilespmem:$0x6A50] =	vst v0  }
0x38: {  	[tilespmem:$0x6A60] =	vst v0  }
0x39: {  	[tilespmem:$0x6A70] =	vst v0  }
0x3a: {  	[tilespmem:$0x6A80] =	vst v0  }
0x3b: {  	[tilespmem:$0x6A90] =	vst v0  }
0x3c: {  	[tilespmem:$0x6AA0] =	vst v0  }
0x3d: {  	[tilespmem:$0x6AB0] =	vst v0  }
0x3e: {  	[tilespmem:$0x6AC0] =	vst v0  }
0x3f: {  	[tilespmem:$0x6AD0] =	vst v0  }
0x40: {  	[tilespmem:$0x6AE0] =	vst v0  }
0x41: {  	[tilespmem:$0x6AF0] =	vst v0  }
0x42: {  	[tilespmem:$0x6B00] =	vst v0  }
0x43: {  	[tilespmem:$0x6B10] =	vst v0  }
0x44: {  	[tilespmem:$0x6B20] =	vst v0  }
0x45: {  	[tilespmem:$0x6B30] =	vst v0  }
0x46: {  	[tilespmem:$0x6B40] =	vst v0  }
0x47: {  	[tilespmem:$0x6B50] =	vst v0  }
0x48: {  	[tilespmem:$0x6B60] =	vst v0  }
0x49: {  	[tilespmem:$0x6B70] =	vst v0  }
0x4a: {  	[tilespmem:$0x6B80] =	vst v0  }
0x4b: {  	[tilespmem:$0x6B90] =	vst v0  }
0x4c: {  	[tilespmem:$0x6BA0] =	vst v0  }
0x4d: {  	[tilespmem:$0x6BB0] =	vst v0  }
0x4e: {  	[tilespmem:$0x6BC0] =	vst v0  }
0x4f: {  	[tilespmem:$0x6BD0] =	vst v0  }
0x50: {  	[tilespmem:$0x6BE0] =	vst v0  }
0x51: {  	s15 =	simm.s32 $0x0;
	s16 =	simm.s32 $0x200;
	[tilespmem:$0x6BF0] =	vst v0  }
.LBB2_2:
0x52: {  	p0 =	sne.s32 s16, $0xFE00;
	[tilespmem:s15+$0x2870] =	vst v1  }
0x53: {  	[tilespmem:s15+$0x2800] =	vst v1  }
0x54: {  	[tilespmem:s15+$0x2810] =	vst v1  }
.Ltmp0:
0x55: {  	[tilespmem:s15+$0x2820] =	vst v1;
	(pc) =	sbr.rel @p0 .LBB2_2-.Ltmp0, $4  }
0x56: {  	[tilespmem:s15+$0x2830] =	vst v1  }
0x57: {  	[tilespmem:s15+$0x2840] =	vst v1  }
0x58: {  	[tilespmem:s15+$0x2850] =	vst v1  }
0x59: {  	[tilespmem:s15+$0x2860] =	vst v1;
	s15 =	sshra.s32 s16, $0x2;
	s16 =	sadd.s32 $0x200, s16  }
0x5a: {  	[tilespmem:s15+$0x2870] =	vst v1  }
0x5b: {  	[tilespmem:s15+$0x2800] =	vst v1  }
0x5c: {  	[tilespmem:s15+$0x2810] =	vst v1  }
0x5d: {  	[tilespmem:s15+$0x2820] =	vst v1  }
0x5e: {  	[tilespmem:s15+$0x2830] =	vst v1  }
0x5f: {  	[tilespmem:s15+$0x2840] =	vst v1  }
0x60: {  	[tilespmem:s15+$0x2850] =	vst v1  }
0x61: {  	[tilespmem:s15+$0x2860] =	vst v1;
	s31 =	sadd.s32 $0x0, s5  }
0x62: {  	[spmem:s31] =	stream.linear.scatter [tilespmem:s9], [sflag:$0x1], $0x400, $0x38;
	[tilespmem:$0x1A800] =	vst v63  }
0x63: {  	s15 =	simm.s32 $0x1000;
	_ =	swait.ge [sflag:s8], $0x400  }
.LBB2_4:
0x64: {  	s16 =	sshra.s32 s15, $0x2;
	[sflag:s8] =	ssyncset.done $0x0;
	p0 =	sne.s32 s15, $0x4E000  }
.Ltmp1:
0x65: {  	s16 =	sadd.s32 s16, s5;
	[sflag:s8] =	ssyncadd.s32 $0xFFFFFC00;
	(pc) =	sbr.rel @p0 .LBB2_4-.Ltmp1, $3  }
0x66: {  	[spmem:s16] =	stream.linear.scatter [tilespmem:s9], [sflag:$0x1], $0x400, $0x38;
	[tilespmem:$0x1A800] =	vst v63  }
0x67: {  	s15 =	sadd.s32 $0x1000, s15;
	_ =	sdelay $0x1  }
0x68: {  	_ =	swait.ge [sflag:s8], $0x400  }
0x69: {  	[sflag:s8] =	ssyncset.done $0x0  }
0x6a: {  	[sflag:s8] =	ssyncadd.s32 $0xFFFFFC00  }
0x6b: {  	s15 =	simm.s32 $0x0;
	[bflag:$0x0] =	sbarrier.arrive $0xFFFF  }
0x6c: {  	[spmem:s1] =	stream.indirect.scatter.add.f32 [tilespmem:s11], [sflag:$0x1], $0x80, s15, s10, $0xb8;
	[tilespmem:$0x1A800] =	vst v63  }
0x6d: {  	_ =	swait.ge [sflag:s8], $0x4000  }
0x6e: {  	s15 =	simm.s32 $0x200;
	[sflag:s8] =	ssyncset.done $0x0  }
.LBB2_6:
0x6f: {  	s16 =	sshra.s32 s15, $0x2;
	[sflag:s8] =	ssyncadd.s32 $0xFFFFC000;
	p0 =	sne.s32 s15, $0x9C00  }
0x70: {  	[spmem:s1] =	stream.indirect.scatter.add.f32 [tilespmem:s11], [sflag:$0x1], $0x80, s16, s10, $0xb8;
	[tilespmem:$0x1A800] =	vst v63  }
.Ltmp2:
0x71: {  	_ = 	snop;
	(pc) =	sbr.rel @p0 .LBB2_6-.Ltmp2, $4  }
0x72: {  	_ = 	snop  }
0x73: {  	s15 =	sadd.s32 $0x200, s15  }
0x74: {  	_ =	swait.ge [sflag:s8], $0x4000  }
0x75: {  	[sflag:s8] =	ssyncset.done $0x0  }
0x76: {  	s14 =	sadd.s32 $0x1, s14  }
0x77: {  	[sflag:s8] =	ssyncadd.s32 $0xFFFFC000;
	p0 =	sne.s32 s14, s7  }
.Ltmp3:
0x78: {  	[bflag:$0x0] =	sbarrier.arrive $0xFFFF;
	(pc) =	sbr.rel @p0 .LBB2_1-.Ltmp3, $4  }
0x79: {  	[hbm:s6], [sflag:s12] =	dma.local [spmem:s13], $0x2780  }
0x7a: {  	_ =	swait.ge [sflag:s8], $0x2780  }
0x7b: {  	[sflag:s8] =	ssyncset.done $0x0  }
0x7c: {  	[sflag:s8] =	ssyncadd.s32 $0xFFFFD880  }
0x7d: {  	_ =	sfence.sel $0x180000  }
0x7e: {  	[bflag:$0x0] =	sbarrier.arrive $0xFFFF  }
0x7f: {  	p0 =	sne.s32 s2, $0x0;
	_ =	strace $0x90000047  }
0x80: {  	s0 =	sadd.s32 @!p0 $0x100000, s0;
	[bflag:$0x2] =	sbarrier.arrive $0xFFFF  }
0x81: {  	[sflag:s0] =	ssyncadd.tile.s32 @!p0 $0x1;
	_ =	shalt  }
.Lfunc_end2:
_tile_overlayer_lowered:
.L_overlay_start_2:
0x82: {  	(tag) =	ssettag $0x2  }
0x83: {  	s0 =	rddreg [dreg:$0x0];
	s2 =	stileid.u32  }
0x84: {  	s1 =	rddreg [dreg:$0x1];
	p0 =	sne.s32 s2, $0x0  }
0x85: {  	s3 =	rddreg [dreg:$0x2];
	[bflag:$0x3] =	sbarrier.arrive $0xFFFF;
	s2 =	simm.s32 @!p0 $0x1C01  }
0x86: {  	[timem:s3], [sflag:s2] =	dma.local @!p0 [hbm:s0], s1  }
0x87: {  	s0 =	simm.s32 @!p0 $0x1  }
0x88: {  	_ =	swait.ge @!p0 [sflag:s0], s1  }
0x89: {  	s1 =	ssub.s32 @!p0 $0x0, s1;
	[sflag:s0] =	ssyncset.done @!p0 $0x0  }
0x8a: {  	[sflag:s0] =	ssyncadd.s32 @!p0 s1  }
0x8b: {  	[bflag:$0x3] =	sbarrier.arrive $0xFFFF  }
0x8c: {  	_ =	shalt  }

</sc_bundles>
